<compile_context>
chip_gen: v7x
topology: tpu7x:2x2x1
jax: 0.10.2.dev20260603
libtpu: 0.0.44.dev20260713+nightly
codegen_flags: <defaults>
</compile_context>

<pallas_src>
import jax
import jax.numpy as jnp
from jax import lax
from jax.experimental import pallas as pl
from jax.experimental.pallas import tpu as pltpu
from jax.experimental.pallas import tpu_sc as plsc

_NUM_OLD = 900000
_NUM_NEW = 100000
_D = 64
_N = 819200

_NC = 2
_NS = 16
_NW = _NC * _NS
_L = 16

_C = 512
_G = 64
_NB = _C // _G
_ROWS_PER_W = _N // _NW
_CHUNKS = _ROWS_PER_W // _C


def _body(x_hbm, old_hbm, new_hbm, out_hbm,
          idx_v, gidx3d, nidx3d, npos3d, rows_v, nrows_v, spm,
          isem, gsem, h1sem, wsem, nsem):
    wid = lax.axis_index("s") * _NC + lax.axis_index("c")
    sid = lax.axis_index("s")
    base = wid * _ROWS_PER_W
    lanes = lax.iota(jnp.int32, _L)

    def compact(par, slot, cbase):
        def compact_body(i, cnt):
            v = idx_v[par, pl.ds(i * _L, _L)]
            m = v >= _NUM_OLD
            r = (i * _L) // _G
            c = (i * _L) % _G
            gidx3d[par, r, pl.ds(c, _L)] = jnp.where(m, 0, v)
            pos = cbase + i * _L + lanes
            mi = m.astype(jnp.int32)
            cs = plsc.cumsum(mi)
            dst = cnt + cs - 1
            plsc.store_scatter(nidx3d, [jnp.full((_L,), slot), dst // _G,
                                        dst % _G], v - _NUM_OLD, mask=m)
            plsc.store_scatter(npos3d, [jnp.full((_L,), slot), dst // _G,
                                        dst % _G], pos, mask=m)
            return cnt + cs[_L - 1]

        cnt = lax.fori_loop(0, _C // _L, compact_body, jnp.int32(0))
        nk = (cnt + _G - 1) // _G

        v0 = nidx3d[slot, 0, pl.ds(0, _L)]
        p0 = npos3d[slot, 0, pl.ds(0, _L)]
        fidx = jnp.full((_L,), v0[0], jnp.int32)
        fpos = jnp.full((_L,), p0[0], jnp.int32)

        def fill_body(s, _):
            off = s * _L
            r = off // _G
            c = off % _G
            m = off + lanes >= cnt
            cur_i = nidx3d[slot, r, pl.ds(c, _L)]
            cur_p = npos3d[slot, r, pl.ds(c, _L)]
            nidx3d[slot, r, pl.ds(c, _L)] = jnp.where(m, fidx, cur_i)
            npos3d[slot, r, pl.ds(c, _L)] = jnp.where(m, fpos, cur_p)
            return 0
        lax.fori_loop(cnt // _L, (nk * _G) // _L, fill_body, 0)
        return cnt

    def new_phase(cnt, slot):
        nk = (cnt + _G - 1) // _G

        def new_body(k, _):
            pltpu.async_copy(new_hbm.at[nidx3d.at[slot, k]], nrows_v,
                             nsem).wait()
            pltpu.sync_copy(nrows_v, out_hbm.at[npos3d.at[slot, k]])
            return 0
        lax.fori_loop(0, nk, new_body, 0)

    def issue_gathers(par):
        for r in range(_NB):
            pltpu.async_copy(old_hbm.at[gidx3d.at[par, r]],
                             rows_v.at[par, pl.ds(r * _G, _G)], gsem)

    def wait_gathers(par):
        for r in range(_NB):
            pltpu.make_async_copy(old_hbm.at[gidx3d.at[par, r]],
                                  rows_v.at[par, pl.ds(r * _G, _G)],
                                  gsem).wait()

    def wait_one_write(cbase_any):
        pltpu.make_async_copy(spm.at[sid], out_hbm.at[pl.ds(cbase_any, _C)],
                              wsem).wait()

    def wait_hop1(par):
        pltpu.make_async_copy(rows_v.at[par], spm.at[sid], h1sem).wait()

    pltpu.async_copy(x_hbm.at[pl.ds(base, _C)], idx_v.at[0], isem)

    def chunk_body(g, carry):
        cnt2, cnt1 = carry
        par = g % 2
        slot = g % 3
        cbase = base + g * _C
        pltpu.make_async_copy(x_hbm.at[pl.ds(cbase, _C)], idx_v.at[par],
                              isem).wait()

        @pl.when(g + 1 < _CHUNKS)
        def _():
            pltpu.async_copy(x_hbm.at[pl.ds(cbase + _C, _C)],
                             idx_v.at[1 - par], isem)

        cnt = compact(par, slot, cbase)

        @pl.when(g > 1)
        def _():
            wait_one_write(cbase)

        @pl.when(g > 0)
        def _():
            wait_gathers(1 - par)
            pltpu.async_copy(rows_v.at[1 - par], spm.at[sid], h1sem)
            wait_hop1(1 - par)
            pltpu.async_copy(spm.at[sid],
                             out_hbm.at[pl.ds(cbase - _C, _C)], wsem)

        issue_gathers(par)

        @pl.when(g > 1)
        def _():
            new_phase(cnt2, (g + 1) % 3)

        return (cnt1, cnt)

    cnt2, cnt1 = lax.fori_loop(
        0, _CHUNKS, chunk_body, (jnp.int32(0),) * 2)

    last = _CHUNKS - 1
    last_base = base + last * _C
    wait_gathers(last % 2)
    wait_one_write(last_base)
    pltpu.async_copy(rows_v.at[last % 2], spm.at[sid], h1sem)
    wait_hop1(last % 2)
    pltpu.async_copy(spm.at[sid], out_hbm.at[pl.ds(last_base, _C)], wsem)
    new_phase(cnt2, (last - 1) % 3)
    wait_one_write(last_base)
    new_phase(cnt1, last % 3)


@jax.jit
def _emb_lookup(old_w, new_w, x):
    mesh = plsc.VectorSubcoreMesh(core_axis_name="c", subcore_axis_name="s")
    return pl.kernel(
        _body,
        out_type=jax.ShapeDtypeStruct((_N, _D), jnp.float32),
        mesh=mesh,
        scratch_types=[
            pltpu.VMEM((2, _C), jnp.int32),
            pltpu.VMEM((2, _NB, _G), jnp.int32),
            pltpu.VMEM((3, _NB, _G), jnp.int32),
            pltpu.VMEM((3, _NB, _G), jnp.int32),
            pltpu.VMEM((2, _C, _D), jnp.float32),
            pltpu.VMEM((_G, _D), jnp.float32),
            pltpu.VMEM_SHARED((_NS, _C, _D), jnp.float32),
            pltpu.SemaphoreType.DMA,
            pltpu.SemaphoreType.DMA,
            pltpu.SemaphoreType.DMA,
            pltpu.SemaphoreType.DMA,
            pltpu.SemaphoreType.DMA,
        ],
        compiler_params=pltpu.CompilerParams(
            needs_layout_passes=False, use_tc_tiling_on_sc=False),
    )(x, old_w, new_w)


def kernel(old_w, new_w, x):
    return _emb_lookup(old_w, new_w, x)

# --- scband reference (transcript-rebuilt; emitter-appended) ---
"""Pipeline reference for scband-embedding-wrapper-function-22943715295251 (READ-ONLY COPY).

The authoritative reference and input builder live on the scoring server;
editing this copy changes nothing except your own understanding.
"""

import jax, jax.numpy as jnp
import numpy as np

NUM_OLD = 900000
NUM_NEW = 100000
EMBED_DIM = 64
N = 819200


def setup_inputs(seed: int = 0) -> dict:
    key = jax.random.key(seed)
    k1, k2, k3 = jax.random.split(key, 3)
    old_w = jax.random.normal(k1, (NUM_OLD, EMBED_DIM), dtype=jnp.float32)
    new_w = jax.random.normal(k2, (NUM_NEW, EMBED_DIM), dtype=jnp.float32)
    x = jax.random.randint(k3, (N,), 0, NUM_OLD + NUM_NEW, dtype=jnp.int32)
    return {"old_w": old_w, "new_w": new_w, "x": x}


def reference(old_w, new_w, x):
    # PartiallyFrozenEmbedding.forward: route each index either to the old
    # (frozen) table or the new (trainable) table, then merge by mask.
    old_mask = x < NUM_OLD
    safe_old = jnp.where(old_mask, x, 0)
    safe_new = jnp.where(old_mask, 0, x - NUM_OLD)
    old_vals = jnp.take(old_w, safe_old, axis=0)
    new_vals = jnp.take(new_w, safe_new, axis=0)
    output = jnp.where(old_mask[:, None], old_vals, new_vals)
    return output

if __name__ == "__main__":
    import jax
    _d = setup_inputs()
    print(jax.jit(kernel)(*tuple(_d.values())))

</pallas_src>

<mosaic_0001>
#map = affine_map<(d0, d1) -> (0)>
#map1 = affine_map<(d0, d1) -> (0, 0)>
module attributes {stable_mosaic.version = 14 : i64} {
  func.func @_body(%arg0: i32, %arg1: i32, %arg2: memref<819200xi32, #tpu.memory_space<hbm>>, %arg3: memref<900000x64xf32, #tpu.memory_space<hbm>>, %arg4: memref<100000x64xf32, #tpu.memory_space<hbm>>, %arg5: memref<819200x64xf32, #tpu.memory_space<hbm>>, %arg6: memref<2x512xi32, #tpu.memory_space<vmem>>, %arg7: memref<2x8x64xi32, #tpu.memory_space<vmem>>, %arg8: memref<3x8x64xi32, #tpu.memory_space<vmem>>, %arg9: memref<3x8x64xi32, #tpu.memory_space<vmem>>, %arg10: memref<2x512x64xf32, #tpu.memory_space<vmem>>, %arg11: memref<64x64xf32, #tpu.memory_space<vmem>>, %arg12: memref<16x512x64xf32, #tpu.memory_space<vmem_shared>>, %arg13: memref<!tpu.dma_semaphore, #tpu.memory_space<semaphore_mem>>, %arg14: memref<!tpu.dma_semaphore, #tpu.memory_space<semaphore_mem>>, %arg15: memref<!tpu.dma_semaphore, #tpu.memory_space<semaphore_mem>>, %arg16: memref<!tpu.dma_semaphore, #tpu.memory_space<semaphore_mem>>, %arg17: memref<!tpu.dma_semaphore, #tpu.memory_space<semaphore_mem>>) attributes {dimension_semantics = [#tpu.dimension_semantics<core_parallel>, #tpu.dimension_semantics<subcore_parallel>], iteration_bounds = array<i64: 2, 16>, scalar_prefetch = 0 : i64, scratch_operands = 12 : i64, tpu.core_type = #tpu.core_type<sc_vector_subcore>, window_params = [{transform_indices = #map}, {transform_indices = #map1}, {transform_indices = #map1}, {transform_indices = #map1}]} {
    %mul3A = arith.constant 2 : i32
    %mul3A_0 = arith.muli %arg1, %mul3A : i32
    %add3A = arith.addi %mul3A_0, %arg0 : i32
    %mul3A_1 = arith.constant 25600 : i32
    %mul3A_2 = arith.muli %add3A, %mul3A_1 : i32
    %iota3A = tpu.iota {dimensions = array<i32: 0>} : vector<16xi32>
    %dma_start3A = arith.constant 0 : i32
    %dma_start3A_3 = arith.constant 0 : i32
    %dma_start3A_4 = tpu.memref_slice %arg6[%dma_start3A, %dma_start3A_3] : memref<2x512xi32, #tpu.memory_space<vmem>> -> memref<1x512xi32, #tpu.memory_space<vmem>>
    %dma_start3A_5 = tpu.memref_squeeze %dma_start3A_4 : memref<1x512xi32, #tpu.memory_space<vmem>> -> memref<512xi32, #tpu.memory_space<vmem>>
    %dma_start3A_6 = tpu.memref_slice %arg2[%mul3A_2] : memref<819200xi32, #tpu.memory_space<hbm>> -> memref<512xi32, #tpu.memory_space<hbm>>
    %dma_start3A_7 = arith.constant 0 : i32
    %dma_start3A_8 = tpu.memref_slice %arg6[%dma_start3A, %dma_start3A_7] : memref<2x512xi32, #tpu.memory_space<vmem>> -> memref<1x512xi32, #tpu.memory_space<vmem>>
    %dma_start3A_9 = tpu.memref_squeeze %dma_start3A_8 : memref<1x512xi32, #tpu.memory_space<vmem>> -> memref<512xi32, #tpu.memory_space<vmem>>
    %dma_start3A_10 = tpu.memref_slice %arg2[%mul3A_2] : memref<819200xi32, #tpu.memory_space<hbm>> -> memref<512xi32, #tpu.memory_space<hbm>>
    tpu.enqueue_dma source(%dma_start3A_10 : memref<512xi32, #tpu.memory_space<hbm>>) target(%dma_start3A_9 : memref<512xi32, #tpu.memory_space<vmem>>) target_semaphore(%arg13 : memref<!tpu.dma_semaphore, #tpu.memory_space<semaphore_mem>>)
    %scan3A = arith.constant 0 : i32
    %scan3A_11 = arith.constant 0 : i32
    %scan3A_12 = arith.constant 0 : i32
    %scan3A_13 = arith.constant 50 : i32
    %scan3A_14 = arith.addi %scan3A_12, %scan3A_13 : i32
    %scan3A_15 = arith.constant 1 : i32
    %scan3A_16:2 = scf.for %scan3A_246 = %scan3A_12 to %scan3A_14 step %scan3A_15 iter_args(%scan3A_247 = %scan3A, %scan3A_248 = %scan3A_11) -> (i32, i32)  : i32 {
      %jit3A_249 = arith.constant 2 : i32
      %eq3A = arith.constant 0 : i32
      %eq3A_250 = arith.cmpi eq, %jit3A_249, %eq3A : i32
      %jit3A_251 = arith.constant 1 : i32
      %select_n3A_252 = arith.select %eq3A_250, %jit3A_251, %jit3A_249 : i32
      %rem3A_253 = arith.remsi %scan3A_246, %select_n3A_252 : i32
      %ne3A_254 = arith.constant 0 : i32
      %ne3A_255 = arith.cmpi ne, %rem3A_253, %ne3A_254 : i32
      %lt3A = arith.constant 0 : i32
      %lt3A_256 = arith.cmpi slt, %rem3A_253, %lt3A : i32
      %lt3A_257 = arith.constant 0 : i32
      %lt3A_258 = arith.cmpi slt, %select_n3A_252, %lt3A_257 : i32
      %ne3A_259 = arith.xori %lt3A_256, %lt3A_258 : i1
      %and3A_260 = arith.andi %ne3A_259, %ne3A_255 : i1
      %add3A_261 = arith.addi %rem3A_253, %select_n3A_252 : i32
      %select_n3A_262 = arith.select %and3A_260, %add3A_261, %rem3A_253 : i32
      %jit3A_263 = arith.constant 3 : i32
      %eq3A_264 = arith.constant 0 : i32
      %eq3A_265 = arith.cmpi eq, %jit3A_263, %eq3A_264 : i32
      %jit3A_266 = arith.constant 1 : i32
      %select_n3A_267 = arith.select %eq3A_265, %jit3A_266, %jit3A_263 : i32
      %rem3A_268 = arith.remsi %scan3A_246, %select_n3A_267 : i32
      %ne3A_269 = arith.constant 0 : i32
      %ne3A_270 = arith.cmpi ne, %rem3A_268, %ne3A_269 : i32
      %lt3A_271 = arith.constant 0 : i32
      %lt3A_272 = arith.cmpi slt, %rem3A_268, %lt3A_271 : i32
      %lt3A_273 = arith.constant 0 : i32
      %lt3A_274 = arith.cmpi slt, %select_n3A_267, %lt3A_273 : i32
      %ne3A_275 = arith.xori %lt3A_272, %lt3A_274 : i1
      %and3A_276 = arith.andi %ne3A_275, %ne3A_270 : i1
      %add3A_277 = arith.addi %rem3A_268, %select_n3A_267 : i32
      %select_n3A_278 = arith.select %and3A_276, %add3A_277, %rem3A_268 : i32
      %mul3A_279 = arith.constant 512 : i32
      %mul3A_280 = arith.muli %scan3A_246, %mul3A_279 : i32
      %add3A_281 = arith.addi %mul3A_2, %mul3A_280 : i32
      %dma_wait3A_282 = arith.constant 0 : i32
      %dma_wait3A_283 = tpu.memref_slice %arg6[%select_n3A_262, %dma_wait3A_282] : memref<2x512xi32, #tpu.memory_space<vmem>> -> memref<1x512xi32, #tpu.memory_space<vmem>>
      %dma_wait3A_284 = tpu.memref_squeeze %dma_wait3A_283 : memref<1x512xi32, #tpu.memory_space<vmem>> -> memref<512xi32, #tpu.memory_space<vmem>>
      %dma_wait3A_285 = tpu.memref_slice %arg2[%add3A_281] : memref<819200xi32, #tpu.memory_space<hbm>> -> memref<512xi32, #tpu.memory_space<hbm>>
      %dma_wait3A_286 = arith.constant 0 : i32
      %dma_wait3A_287 = tpu.memref_slice %arg6[%select_n3A_262, %dma_wait3A_286] : memref<2x512xi32, #tpu.memory_space<vmem>> -> memref<1x512xi32, #tpu.memory_space<vmem>>
      %dma_wait3A_288 = tpu.memref_squeeze %dma_wait3A_287 : memref<1x512xi32, #tpu.memory_space<vmem>> -> memref<512xi32, #tpu.memory_space<vmem>>
      %dma_wait3A_289 = tpu.memref_slice %arg2[%add3A_281] : memref<819200xi32, #tpu.memory_space<hbm>> -> memref<512xi32, #tpu.memory_space<hbm>>
      tpu.wait_dma2 semaphore(%arg13 : memref<!tpu.dma_semaphore, #tpu.memory_space<semaphore_mem>>) src(%dma_wait3A_289 : memref<512xi32, #tpu.memory_space<hbm>>) dst(%dma_wait3A_288 : memref<512xi32, #tpu.memory_space<vmem>>)
      %add3A_290 = arith.constant 1 : i32
      %add3A_291 = arith.addi %scan3A_246, %add3A_290 : i32
      %lt3A_292 = arith.constant 50 : i32
      %lt3A_293 = arith.cmpi slt, %add3A_291, %lt3A_292 : i32
      %convert_element_type3A = arith.extui %lt3A_293 : i1 to i32
      %cond3A = arith.constant 0 : i32
      %cond3A_294 = arith.cmpi ne, %convert_element_type3A, %cond3A : i32
      scf.if %cond3A_294 {
        %add3A_505 = arith.constant 512 : i32
        %add3A_506 = arith.addi %add3A_281, %add3A_505 : i32
        %sub3A_507 = arith.constant 1 : i32
        %sub3A_508 = arith.subi %sub3A_507, %select_n3A_262 : i32
        %dma_start3A_509 = arith.constant 0 : i32
        %dma_start3A_510 = tpu.memref_slice %arg6[%sub3A_508, %dma_start3A_509] : memref<2x512xi32, #tpu.memory_space<vmem>> -> memref<1x512xi32, #tpu.memory_space<vmem>>
        %dma_start3A_511 = tpu.memref_squeeze %dma_start3A_510 : memref<1x512xi32, #tpu.memory_space<vmem>> -> memref<512xi32, #tpu.memory_space<vmem>>
        %dma_start3A_512 = tpu.memref_slice %arg2[%add3A_506] : memref<819200xi32, #tpu.memory_space<hbm>> -> memref<512xi32, #tpu.memory_space<hbm>>
        %dma_start3A_513 = arith.constant 0 : i32
        %dma_start3A_514 = tpu.memref_slice %arg6[%sub3A_508, %dma_start3A_513] : memref<2x512xi32, #tpu.memory_space<vmem>> -> memref<1x512xi32, #tpu.memory_space<vmem>>
        %dma_start3A_515 = tpu.memref_squeeze %dma_start3A_514 : memref<1x512xi32, #tpu.memory_space<vmem>> -> memref<512xi32, #tpu.memory_space<vmem>>
        %dma_start3A_516 = tpu.memref_slice %arg2[%add3A_506] : memref<819200xi32, #tpu.memory_space<hbm>> -> memref<512xi32, #tpu.memory_space<hbm>>
        tpu.enqueue_dma source(%dma_start3A_516 : memref<512xi32, #tpu.memory_space<hbm>>) target(%dma_start3A_515 : memref<512xi32, #tpu.memory_space<vmem>>) target_semaphore(%arg13 : memref<!tpu.dma_semaphore, #tpu.memory_space<semaphore_mem>>)
      } else {
      }
      %scan3A_295 = arith.constant 0 : i32
      %scan3A_296 = arith.constant 0 : i32
      %scan3A_297 = arith.constant 32 : i32
      %scan3A_298 = arith.addi %scan3A_296, %scan3A_297 : i32
      %scan3A_299 = arith.constant 1 : i32
      %scan3A_300 = scf.for %scan3A_505 = %scan3A_296 to %scan3A_298 step %scan3A_299 iter_args(%scan3A_506 = %scan3A_295) -> (i32)  : i32 {
        %mul3A_507 = arith.constant 16 : i32
        %mul3A_508 = arith.muli %scan3A_505, %mul3A_507 : i32
        %get3A_509 = arith.index_cast %select_n3A_262 : i32 to index
        %get3A_510 = arith.index_cast %mul3A_508 : i32 to index
        %get3A_511 = tpu.vector_load %arg6[%get3A_509, %get3A_510] {strides = array<i32>} : memref<2x512xi32, #tpu.memory_space<vmem>>, vector<16xi32>,
        %ge3A = arith.constant 900000 : i32
        %ge3A_512 = vector.broadcast %ge3A : i32 to vector<16xi32>
        %ge3A_513 = arith.cmpi sge, %get3A_511, %ge3A_512 : vector<16xi32>
        %mul3A_514 = arith.constant 16 : i32
        %mul3A_515 = arith.muli %scan3A_505, %mul3A_514 : i32
        %jit3A_516 = arith.constant 64 : i32
        %div3A_517 = arith.divsi %mul3A_515, %jit3A_516 : i32
        %sign3A_518 = arith.constant 0 : i32
        %sign3A_519 = arith.cmpi sgt, %mul3A_515, %sign3A_518 : i32
        %sign3A_520 = arith.extui %sign3A_519 : i1 to i32
        %sign3A_521 = arith.constant 0 : i32
        %sign3A_522 = arith.cmpi slt, %mul3A_515, %sign3A_521 : i32
        %sign3A_523 = arith.extui %sign3A_522 : i1 to i32
        %sign3A_524 = arith.subi %sign3A_520, %sign3A_523 : i32
        %sign3A_525 = arith.constant 0 : i32
        %sign3A_526 = arith.cmpi sgt, %jit3A_516, %sign3A_525 : i32
        %sign3A_527 = arith.extui %sign3A_526 : i1 to i32
        %sign3A_528 = arith.constant 0 : i32
        %sign3A_529 = arith.cmpi slt, %jit3A_516, %sign3A_528 : i32
        %sign3A_530 = arith.extui %sign3A_529 : i1 to i32
        %sign3A_531 = arith.subi %sign3A_527, %sign3A_530 : i32
        %ne3A_532 = arith.cmpi ne, %sign3A_524, %sign3A_531 : i32
        %rem3A_533 = arith.remsi %mul3A_515, %jit3A_516 : i32
        %ne3A_534 = arith.constant 0 : i32
        %ne3A_535 = arith.cmpi ne, %rem3A_533, %ne3A_534 : i32
        %and3A_536 = arith.andi %ne3A_532, %ne3A_535 : i1
        %sub3A_537 = arith.constant 1 : i32
        %sub3A_538 = arith.subi %div3A_517, %sub3A_537 : i32
        %select_n3A_539 = arith.select %and3A_536, %sub3A_538, %div3A_517 : i32
        %mul3A_540 = arith.constant 16 : i32
        %mul3A_541 = arith.muli %scan3A_505, %mul3A_540 : i32
        %jit3A_542 = arith.constant 64 : i32
        %eq3A_543 = arith.constant 0 : i32
        %eq3A_544 = arith.cmpi eq, %jit3A_542, %eq3A_543 : i32
        %jit3A_545 = arith.constant 1 : i32
        %select_n3A_546 = arith.select %eq3A_544, %jit3A_545, %jit3A_542 : i32
        %rem3A_547 = arith.remsi %mul3A_541, %select_n3A_546 : i32
        %ne3A_548 = arith.constant 0 : i32
        %ne3A_549 = arith.cmpi ne, %rem3A_547, %ne3A_548 : i32
        %lt3A_550 = arith.constant 0 : i32
        %lt3A_551 = arith.cmpi slt, %rem3A_547, %lt3A_550 : i32
        %lt3A_552 = arith.constant 0 : i32
        %lt3A_553 = arith.cmpi slt, %select_n3A_546, %lt3A_552 : i32
        %ne3A_554 = arith.xori %lt3A_551, %lt3A_553 : i1
        %and3A_555 = arith.andi %ne3A_554, %ne3A_549 : i1
        %add3A_556 = arith.addi %rem3A_547, %select_n3A_546 : i32
        %select_n3A_557 = arith.select %and3A_555, %add3A_556, %rem3A_547 : i32
        %jit3A_558 = arith.constant 0 : i32
        %broadcast_in_dim3A_559 = vector.broadcast %jit3A_558 : i32 to vector<16xi32>
        %select_n3A_560 = arith.select %ge3A_513, %broadcast_in_dim3A_559, %get3A_511 : vector<16xi1>, vector<16xi32>
        %swap3A = arith.index_cast %select_n3A_262 : i32 to index
        %swap3A_561 = arith.index_cast %select_n3A_539 : i32 to index
        %swap3A_562 = arith.index_cast %select_n3A_557 : i32 to index
        %swap3A_563 = tpu.vector_load %arg7[%swap3A, %swap3A_561, %swap3A_562] {strides = array<i32>} : memref<2x8x64xi32, #tpu.memory_space<vmem>>, vector<16xi32>,
        tpu.vector_store %arg7[%swap3A, %swap3A_561, %swap3A_562], %select_n3A_560 {strides = array<i32>} : memref<2x8x64xi32, #tpu.memory_space<vmem>>, vector<16xi32>,
        %mul3A_564 = arith.constant 16 : i32
        %mul3A_565 = arith.muli %scan3A_505, %mul3A_564 : i32
        %add3A_566 = arith.addi %add3A_281, %mul3A_565 : i32
        %add3A_567 = vector.broadcast %add3A_566 : i32 to vector<16xi32>
        %add3A_568 = arith.addi %add3A_567, %iota3A : vector<16xi32>
        %convert_element_type3A_569 = arith.extui %ge3A_513 : vector<16xi1> to vector<16xi32>
        %broadcast_in_dim3A_570 = arith.constant true
        %broadcast_in_dim3A_571 = vector.broadcast %broadcast_in_dim3A_570 : i1 to vector<16xi1>
        %masked_cumsum3A = tpu.scan <sum>, %convert_element_type3A_569 masked %broadcast_in_dim3A_571 : vector<16xi32>, vector<16xi1> -> vector<16xi32>
        %add3A_572 = vector.broadcast %scan3A_506 : i32 to vector<16xi32>
        %add3A_573 = arith.addi %add3A_572, %masked_cumsum3A : vector<16xi32>
        %sub3A_574 = arith.constant 1 : i32
        %sub3A_575 = vector.broadcast %sub3A_574 : i32 to vector<16xi32>
        %sub3A_576 = arith.subi %add3A_573, %sub3A_575 : vector<16xi32>
        %broadcast_in_dim3A_577 = vector.broadcast %select_n3A_278 : i32 to vector<16xi32>
        %jit3A_578 = arith.constant 64 : i32
        %div3A_579 = vector.broadcast %jit3A_578 : i32 to vector<16xi32>
        %div3A_580 = arith.divsi %sub3A_576, %div3A_579 : vector<16xi32>
        %sign3A_581 = arith.constant 0 : i32
        %sign3A_582 = vector.broadcast %sign3A_581 : i32 to vector<16xi32>
        %sign3A_583 = arith.cmpi sgt, %sub3A_576, %sign3A_582 : vector<16xi32>
        %sign3A_584 = arith.extui %sign3A_583 : vector<16xi1> to vector<16xi32>
        %sign3A_585 = arith.constant 0 : i32
        %sign3A_586 = vector.broadcast %sign3A_585 : i32 to vector<16xi32>
        %sign3A_587 = arith.cmpi slt, %sub3A_576, %sign3A_586 : vector<16xi32>
        %sign3A_588 = arith.extui %sign3A_587 : vector<16xi1> to vector<16xi32>
        %sign3A_589 = arith.subi %sign3A_584, %sign3A_588 : vector<16xi32>
        %sign3A_590 = arith.constant 0 : i32
        %sign3A_591 = arith.cmpi sgt, %jit3A_578, %sign3A_590 : i32
        %sign3A_592 = arith.extui %sign3A_591 : i1 to i32
        %sign3A_593 = arith.constant 0 : i32
        %sign3A_594 = arith.cmpi slt, %jit3A_578, %sign3A_593 : i32
        %sign3A_595 = arith.extui %sign3A_594 : i1 to i32
        %sign3A_596 = arith.subi %sign3A_592, %sign3A_595 : i32
        %ne3A_597 = vector.broadcast %sign3A_596 : i32 to vector<16xi32>
        %ne3A_598 = arith.cmpi ne, %sign3A_589, %ne3A_597 : vector<16xi32>
        %rem3A_599 = vector.broadcast %jit3A_578 : i32 to vector<16xi32>
        %rem3A_600 = arith.remsi %sub3A_576, %rem3A_599 : vector<16xi32>
        %ne3A_601 = arith.constant 0 : i32
        %ne3A_602 = vector.broadcast %ne3A_601 : i32 to vector<16xi32>
        %ne3A_603 = arith.cmpi ne, %rem3A_600, %ne3A_602 : vector<16xi32>
        %and3A_604 = arith.andi %ne3A_598, %ne3A_603 : vector<16xi1>
        %sub3A_605 = arith.constant 1 : i32
        %sub3A_606 = vector.broadcast %sub3A_605 : i32 to vector<16xi32>
        %sub3A_607 = arith.subi %div3A_580, %sub3A_606 : vector<16xi32>
        %select_n3A_608 = arith.select %and3A_604, %sub3A_607, %div3A_580 : vector<16xi1>, vector<16xi32>
        %jit3A_609 = arith.constant 64 : i32
        %eq3A_610 = arith.constant 0 : i32
        %eq3A_611 = arith.cmpi eq, %jit3A_609, %eq3A_610 : i32
        %jit3A_612 = arith.constant 1 : i32
        %select_n3A_613 = arith.select %eq3A_611, %jit3A_612, %jit3A_609 : i32
        %rem3A_614 = vector.broadcast %select_n3A_613 : i32 to vector<16xi32>
        %rem3A_615 = arith.remsi %sub3A_576, %rem3A_614 : vector<16xi32>
        %ne3A_616 = arith.constant 0 : i32
        %ne3A_617 = vector.broadcast %ne3A_616 : i32 to vector<16xi32>
        %ne3A_618 = arith.cmpi ne, %rem3A_615, %ne3A_617 : vector<16xi32>
        %lt3A_619 = arith.constant 0 : i32
        %lt3A_620 = vector.broadcast %lt3A_619 : i32 to vector<16xi32>
        %lt3A_621 = arith.cmpi slt, %rem3A_615, %lt3A_620 : vector<16xi32>
        %lt3A_622 = arith.constant 0 : i32
        %lt3A_623 = arith.cmpi slt, %select_n3A_613, %lt3A_622 : i32
        %ne3A_624 = vector.broadcast %lt3A_623 : i1 to vector<16xi1>
        %ne3A_625 = vector.broadcast %ne3A_624 : vector<16xi1> to vector<16xi1>
        %ne3A_626 = arith.xori %lt3A_621, %ne3A_625 : vector<16xi1>
        %and3A_627 = arith.andi %ne3A_626, %ne3A_618 : vector<16xi1>
        %add3A_628 = vector.broadcast %select_n3A_613 : i32 to vector<16xi32>
        %add3A_629 = arith.addi %rem3A_615, %add3A_628 : vector<16xi32>
        %select_n3A_630 = arith.select %and3A_627, %add3A_629, %rem3A_615 : vector<16xi1>, vector<16xi32>
        %sub3A_631 = arith.constant 900000 : i32
        %sub3A_632 = vector.broadcast %sub3A_631 : i32 to vector<16xi32>
        %sub3A_633 = arith.subi %get3A_511, %sub3A_632 : vector<16xi32>
        tpu.vector_store_idx %arg8[%broadcast_in_dim3A_577, %select_n3A_608, %select_n3A_630], %sub3A_633 masked %ge3A_513 : memref<3x8x64xi32, #tpu.memory_space<vmem>>[vector<16xi32>, vector<16xi32>, vector<16xi32>], vector<16xi32>, vector<16xi1>
        %broadcast_in_dim3A_634 = vector.broadcast %select_n3A_278 : i32 to vector<16xi32>
        %jit3A_635 = arith.constant 64 : i32
        %div3A_636 = vector.broadcast %jit3A_635 : i32 to vector<16xi32>
        %div3A_637 = arith.divsi %sub3A_576, %div3A_636 : vector<16xi32>
        %sign3A_638 = arith.constant 0 : i32
        %sign3A_639 = vector.broadcast %sign3A_638 : i32 to vector<16xi32>
        %sign3A_640 = arith.cmpi sgt, %sub3A_576, %sign3A_639 : vector<16xi32>
        %sign3A_641 = arith.extui %sign3A_640 : vector<16xi1> to vector<16xi32>
        %sign3A_642 = arith.constant 0 : i32
        %sign3A_643 = vector.broadcast %sign3A_642 : i32 to vector<16xi32>
        %sign3A_644 = arith.cmpi slt, %sub3A_576, %sign3A_643 : vector<16xi32>
        %sign3A_645 = arith.extui %sign3A_644 : vector<16xi1> to vector<16xi32>
        %sign3A_646 = arith.subi %sign3A_641, %sign3A_645 : vector<16xi32>
        %sign3A_647 = arith.constant 0 : i32
        %sign3A_648 = arith.cmpi sgt, %jit3A_635, %sign3A_647 : i32
        %sign3A_649 = arith.extui %sign3A_648 : i1 to i32
        %sign3A_650 = arith.constant 0 : i32
        %sign3A_651 = arith.cmpi slt, %jit3A_635, %sign3A_650 : i32
        %sign3A_652 = arith.extui %sign3A_651 : i1 to i32
        %sign3A_653 = arith.subi %sign3A_649, %sign3A_652 : i32
        %ne3A_654 = vector.broadcast %sign3A_653 : i32 to vector<16xi32>
        %ne3A_655 = arith.cmpi ne, %sign3A_646, %ne3A_654 : vector<16xi32>
        %rem3A_656 = vector.broadcast %jit3A_635 : i32 to vector<16xi32>
        %rem3A_657 = arith.remsi %sub3A_576, %rem3A_656 : vector<16xi32>
        %ne3A_658 = arith.constant 0 : i32
        %ne3A_659 = vector.broadcast %ne3A_658 : i32 to vector<16xi32>
        %ne3A_660 = arith.cmpi ne, %rem3A_657, %ne3A_659 : vector<16xi32>
        %and3A_661 = arith.andi %ne3A_655, %ne3A_660 : vector<16xi1>
        %sub3A_662 = arith.constant 1 : i32
        %sub3A_663 = vector.broadcast %sub3A_662 : i32 to vector<16xi32>
        %sub3A_664 = arith.subi %div3A_637, %sub3A_663 : vector<16xi32>
        %select_n3A_665 = arith.select %and3A_661, %sub3A_664, %div3A_637 : vector<16xi1>, vector<16xi32>
        %jit3A_666 = arith.constant 64 : i32
        %eq3A_667 = arith.constant 0 : i32
        %eq3A_668 = arith.cmpi eq, %jit3A_666, %eq3A_667 : i32
        %jit3A_669 = arith.constant 1 : i32
        %select_n3A_670 = arith.select %eq3A_668, %jit3A_669, %jit3A_666 : i32
        %rem3A_671 = vector.broadcast %select_n3A_670 : i32 to vector<16xi32>
        %rem3A_672 = arith.remsi %sub3A_576, %rem3A_671 : vector<16xi32>
        %ne3A_673 = arith.constant 0 : i32
        %ne3A_674 = vector.broadcast %ne3A_673 : i32 to vector<16xi32>
        %ne3A_675 = arith.cmpi ne, %rem3A_672, %ne3A_674 : vector<16xi32>
        %lt3A_676 = arith.constant 0 : i32
        %lt3A_677 = vector.broadcast %lt3A_676 : i32 to vector<16xi32>
        %lt3A_678 = arith.cmpi slt, %rem3A_672, %lt3A_677 : vector<16xi32>
        %lt3A_679 = arith.constant 0 : i32
        %lt3A_680 = arith.cmpi slt, %select_n3A_670, %lt3A_679 : i32
        %ne3A_681 = vector.broadcast %lt3A_680 : i1 to vector<16xi1>
        %ne3A_682 = vector.broadcast %ne3A_681 : vector<16xi1> to vector<16xi1>
        %ne3A_683 = arith.xori %lt3A_678, %ne3A_682 : vector<16xi1>
        %and3A_684 = arith.andi %ne3A_683, %ne3A_675 : vector<16xi1>
        %add3A_685 = vector.broadcast %select_n3A_670 : i32 to vector<16xi32>
        %add3A_686 = arith.addi %rem3A_672, %add3A_685 : vector<16xi32>
        %select_n3A_687 = arith.select %and3A_684, %add3A_686, %rem3A_672 : vector<16xi1>, vector<16xi32>
        tpu.vector_store_idx %arg9[%broadcast_in_dim3A_634, %select_n3A_665, %select_n3A_687], %add3A_568 masked %ge3A_513 : memref<3x8x64xi32, #tpu.memory_space<vmem>>[vector<16xi32>, vector<16xi32>, vector<16xi32>], vector<16xi32>, vector<16xi1>
        %slice3A_688 = vector.extract_strided_slice %masked_cumsum3A {offsets = [15], sizes = [1], strides = [1]} : vector<16xi32> to vector<1xi32>
        %squeeze3A_689 = vector.extract %slice3A_688[0] : i32 from vector<1xi32>
        %add3A_690 = arith.addi %scan3A_506, %squeeze3A_689 : i32
        scf.yield %add3A_690 : i32
      }
      %scan3A_301 = arith.constant 32 : i32
      %add3A_302 = arith.constant 64 : i32
      %add3A_303 = arith.addi %scan3A_300, %add3A_302 : i32
      %sub3A_304 = arith.constant 1 : i32
      %sub3A_305 = arith.subi %add3A_303, %sub3A_304 : i32
      %jit3A_306 = arith.constant 64 : i32
      %div3A_307 = arith.divsi %sub3A_305, %jit3A_306 : i32
      %sign3A_308 = arith.constant 0 : i32
      %sign3A_309 = arith.cmpi sgt, %sub3A_305, %sign3A_308 : i32
      %sign3A_310 = arith.extui %sign3A_309 : i1 to i32
      %sign3A_311 = arith.constant 0 : i32
      %sign3A_312 = arith.cmpi slt, %sub3A_305, %sign3A_311 : i32
      %sign3A_313 = arith.extui %sign3A_312 : i1 to i32
      %sign3A_314 = arith.subi %sign3A_310, %sign3A_313 : i32
      %sign3A_315 = arith.constant 0 : i32
      %sign3A_316 = arith.cmpi sgt, %jit3A_306, %sign3A_315 : i32
      %sign3A_317 = arith.extui %sign3A_316 : i1 to i32
      %sign3A_318 = arith.constant 0 : i32
      %sign3A_319 = arith.cmpi slt, %jit3A_306, %sign3A_318 : i32
      %sign3A_320 = arith.extui %sign3A_319 : i1 to i32
      %sign3A_321 = arith.subi %sign3A_317, %sign3A_320 : i32
      %ne3A_322 = arith.cmpi ne, %sign3A_314, %sign3A_321 : i32
      %rem3A_323 = arith.remsi %sub3A_305, %jit3A_306 : i32
      %ne3A_324 = arith.constant 0 : i32
      %ne3A_325 = arith.cmpi ne, %rem3A_323, %ne3A_324 : i32
      %and3A_326 = arith.andi %ne3A_322, %ne3A_325 : i1
      %sub3A_327 = arith.constant 1 : i32
      %sub3A_328 = arith.subi %div3A_307, %sub3A_327 : i32
      %select_n3A_329 = arith.select %and3A_326, %sub3A_328, %div3A_307 : i32
      %get3A = arith.constant 0 : i32
      %get3A_330 = arith.index_cast %select_n3A_278 : i32 to index
      %get3A_331 = arith.index_cast %get3A : i32 to index
      %get3A_332 = arith.constant 0 : index
      %get3A_333 = tpu.vector_load %arg8[%get3A_330, %get3A_331, %get3A_332] {strides = array<i32>} : memref<3x8x64xi32, #tpu.memory_space<vmem>>, vector<16xi32>,
      %get3A_334 = arith.constant 0 : i32
      %get3A_335 = arith.index_cast %select_n3A_278 : i32 to index
      %get3A_336 = arith.index_cast %get3A_334 : i32 to index
      %get3A_337 = arith.constant 0 : index
      %get3A_338 = tpu.vector_load %arg9[%get3A_335, %get3A_336, %get3A_337] {strides = array<i32>} : memref<3x8x64xi32, #tpu.memory_space<vmem>>, vector<16xi32>,
      %slice3A = vector.extract_strided_slice %get3A_333 {offsets = [0], sizes = [1], strides = [1]} : vector<16xi32> to vector<1xi32>
      %squeeze3A = vector.extract %slice3A[0] : i32 from vector<1xi32>
      %broadcast_in_dim3A = vector.broadcast %squeeze3A : i32 to vector<16xi32>
      %slice3A_339 = vector.extract_strided_slice %get3A_338 {offsets = [0], sizes = [1], strides = [1]} : vector<16xi32> to vector<1xi32>
      %squeeze3A_340 = vector.extract %slice3A_339[0] : i32 from vector<1xi32>
      %broadcast_in_dim3A_341 = vector.broadcast %squeeze3A_340 : i32 to vector<16xi32>
      %jit3A_342 = arith.constant 16 : i32
      %div3A_343 = arith.divsi %scan3A_300, %jit3A_342 : i32
      %sign3A_344 = arith.constant 0 : i32
      %sign3A_345 = arith.cmpi sgt, %scan3A_300, %sign3A_344 : i32
      %sign3A_346 = arith.extui %sign3A_345 : i1 to i32
      %sign3A_347 = arith.constant 0 : i32
      %sign3A_348 = arith.cmpi slt, %scan3A_300, %sign3A_347 : i32
      %sign3A_349 = arith.extui %sign3A_348 : i1 to i32
      %sign3A_350 = arith.subi %sign3A_346, %sign3A_349 : i32
      %sign3A_351 = arith.constant 0 : i32
      %sign3A_352 = arith.cmpi sgt, %jit3A_342, %sign3A_351 : i32
      %sign3A_353 = arith.extui %sign3A_352 : i1 to i32
      %sign3A_354 = arith.constant 0 : i32
      %sign3A_355 = arith.cmpi slt, %jit3A_342, %sign3A_354 : i32
      %sign3A_356 = arith.extui %sign3A_355 : i1 to i32
      %sign3A_357 = arith.subi %sign3A_353, %sign3A_356 : i32
      %ne3A_358 = arith.cmpi ne, %sign3A_350, %sign3A_357 : i32
      %rem3A_359 = arith.remsi %scan3A_300, %jit3A_342 : i32
      %ne3A_360 = arith.constant 0 : i32
      %ne3A_361 = arith.cmpi ne, %rem3A_359, %ne3A_360 : i32
      %and3A_362 = arith.andi %ne3A_358, %ne3A_361 : i1
      %sub3A_363 = arith.constant 1 : i32
      %sub3A_364 = arith.subi %div3A_343, %sub3A_363 : i32
      %select_n3A_365 = arith.select %and3A_362, %sub3A_364, %div3A_343 : i32
      %mul3A_366 = arith.constant 64 : i32
      %mul3A_367 = arith.muli %select_n3A_329, %mul3A_366 : i32
      %jit3A_368 = arith.constant 16 : i32
      %div3A_369 = arith.divsi %mul3A_367, %jit3A_368 : i32
      %sign3A_370 = arith.constant 0 : i32
      %sign3A_371 = arith.cmpi sgt, %mul3A_367, %sign3A_370 : i32
      %sign3A_372 = arith.extui %sign3A_371 : i1 to i32
      %sign3A_373 = arith.constant 0 : i32
      %sign3A_374 = arith.cmpi slt, %mul3A_367, %sign3A_373 : i32
      %sign3A_375 = arith.extui %sign3A_374 : i1 to i32
      %sign3A_376 = arith.subi %sign3A_372, %sign3A_375 : i32
      %sign3A_377 = arith.constant 0 : i32
      %sign3A_378 = arith.cmpi sgt, %jit3A_368, %sign3A_377 : i32
      %sign3A_379 = arith.extui %sign3A_378 : i1 to i32
      %sign3A_380 = arith.constant 0 : i32
      %sign3A_381 = arith.cmpi slt, %jit3A_368, %sign3A_380 : i32
      %sign3A_382 = arith.extui %sign3A_381 : i1 to i32
      %sign3A_383 = arith.subi %sign3A_379, %sign3A_382 : i32
      %ne3A_384 = arith.cmpi ne, %sign3A_376, %sign3A_383 : i32
      %rem3A_385 = arith.remsi %mul3A_367, %jit3A_368 : i32
      %ne3A_386 = arith.constant 0 : i32
      %ne3A_387 = arith.cmpi ne, %rem3A_385, %ne3A_386 : i32
      %and3A_388 = arith.andi %ne3A_384, %ne3A_387 : i1
      %sub3A_389 = arith.constant 1 : i32
      %sub3A_390 = arith.subi %div3A_369, %sub3A_389 : i32
      %select_n3A_391 = arith.select %and3A_388, %sub3A_390, %div3A_369 : i32
      %while3A_392 = arith.constant 0 : i32
      %while3A_393 = arith.subi %select_n3A_391, %select_n3A_365 : i32
      %while3A_394 = arith.addi %select_n3A_365, %while3A_393 : i32
      %while3A_395 = arith.constant 1 : i32
      %while3A_396 = arith.divsi %while3A_393, %while3A_395 : i32
      %while3A_397 = arith.muli %while3A_396, %while3A_395 : i32
      %while3A_398 = arith.addi %select_n3A_365, %while3A_397 : i32
      %while3A_399 = arith.constant 1 : i32
      %while3A_400 = scf.for %while3A_505 = %select_n3A_365 to %while3A_398 step %while3A_399 iter_args(%while3A_506 = %while3A_392) -> (i32)  : i32 {
        %mul3A_507 = arith.constant 16 : i32
        %mul3A_508 = arith.muli %while3A_505, %mul3A_507 : i32
        %jit3A_509 = arith.constant 64 : i32
        %div3A_510 = arith.divsi %mul3A_508, %jit3A_509 : i32
        %sign3A_511 = arith.constant 0 : i32
        %sign3A_512 = arith.cmpi sgt, %mul3A_508, %sign3A_511 : i32
        %sign3A_513 = arith.extui %sign3A_512 : i1 to i32
        %sign3A_514 = arith.constant 0 : i32
        %sign3A_515 = arith.cmpi slt, %mul3A_508, %sign3A_514 : i32
        %sign3A_516 = arith.extui %sign3A_515 : i1 to i32
        %sign3A_517 = arith.subi %sign3A_513, %sign3A_516 : i32
        %sign3A_518 = arith.constant 0 : i32
        %sign3A_519 = arith.cmpi sgt, %jit3A_509, %sign3A_518 : i32
        %sign3A_520 = arith.extui %sign3A_519 : i1 to i32
        %sign3A_521 = arith.constant 0 : i32
        %sign3A_522 = arith.cmpi slt, %jit3A_509, %sign3A_521 : i32
        %sign3A_523 = arith.extui %sign3A_522 : i1 to i32
        %sign3A_524 = arith.subi %sign3A_520, %sign3A_523 : i32
        %ne3A_525 = arith.cmpi ne, %sign3A_517, %sign3A_524 : i32
        %rem3A_526 = arith.remsi %mul3A_508, %jit3A_509 : i32
        %ne3A_527 = arith.constant 0 : i32
        %ne3A_528 = arith.cmpi ne, %rem3A_526, %ne3A_527 : i32
        %and3A_529 = arith.andi %ne3A_525, %ne3A_528 : i1
        %sub3A_530 = arith.constant 1 : i32
        %sub3A_531 = arith.subi %div3A_510, %sub3A_530 : i32
        %select_n3A_532 = arith.select %and3A_529, %sub3A_531, %div3A_510 : i32
        %jit3A_533 = arith.constant 64 : i32
        %eq3A_534 = arith.constant 0 : i32
        %eq3A_535 = arith.cmpi eq, %jit3A_533, %eq3A_534 : i32
        %jit3A_536 = arith.constant 1 : i32
        %select_n3A_537 = arith.select %eq3A_535, %jit3A_536, %jit3A_533 : i32
        %rem3A_538 = arith.remsi %mul3A_508, %select_n3A_537 : i32
        %ne3A_539 = arith.constant 0 : i32
        %ne3A_540 = arith.cmpi ne, %rem3A_538, %ne3A_539 : i32
        %lt3A_541 = arith.constant 0 : i32
        %lt3A_542 = arith.cmpi slt, %rem3A_538, %lt3A_541 : i32
        %lt3A_543 = arith.constant 0 : i32
        %lt3A_544 = arith.cmpi slt, %select_n3A_537, %lt3A_543 : i32
        %ne3A_545 = arith.xori %lt3A_542, %lt3A_544 : i1
        %and3A_546 = arith.andi %ne3A_545, %ne3A_540 : i1
        %add3A_547 = arith.addi %rem3A_538, %select_n3A_537 : i32
        %select_n3A_548 = arith.select %and3A_546, %add3A_547, %rem3A_538 : i32
        %add3A_549 = vector.broadcast %mul3A_508 : i32 to vector<16xi32>
        %add3A_550 = arith.addi %add3A_549, %iota3A : vector<16xi32>
        %ge3A = vector.broadcast %scan3A_300 : i32 to vector<16xi32>
        %ge3A_551 = arith.cmpi sge, %add3A_550, %ge3A : vector<16xi32>
        %get3A_552 = arith.index_cast %select_n3A_278 : i32 to index
        %get3A_553 = arith.index_cast %select_n3A_532 : i32 to index
        %get3A_554 = arith.index_cast %select_n3A_548 : i32 to index
        %get3A_555 = tpu.vector_load %arg8[%get3A_552, %get3A_553, %get3A_554] {strides = array<i32>} : memref<3x8x64xi32, #tpu.memory_space<vmem>>, vector<16xi32>,
        %get3A_556 = arith.index_cast %select_n3A_278 : i32 to index
        %get3A_557 = arith.index_cast %select_n3A_532 : i32 to index
        %get3A_558 = arith.index_cast %select_n3A_548 : i32 to index
        %get3A_559 = tpu.vector_load %arg9[%get3A_556, %get3A_557, %get3A_558] {strides = array<i32>} : memref<3x8x64xi32, #tpu.memory_space<vmem>>, vector<16xi32>,
        %select_n3A_560 = arith.select %ge3A_551, %broadcast_in_dim3A, %get3A_555 : vector<16xi1>, vector<16xi32>
        %swap3A = arith.index_cast %select_n3A_278 : i32 to index
        %swap3A_561 = arith.index_cast %select_n3A_532 : i32 to index
        %swap3A_562 = arith.index_cast %select_n3A_548 : i32 to index
        %swap3A_563 = tpu.vector_load %arg8[%swap3A, %swap3A_561, %swap3A_562] {strides = array<i32>} : memref<3x8x64xi32, #tpu.memory_space<vmem>>, vector<16xi32>,
        tpu.vector_store %arg8[%swap3A, %swap3A_561, %swap3A_562], %select_n3A_560 {strides = array<i32>} : memref<3x8x64xi32, #tpu.memory_space<vmem>>, vector<16xi32>,
        %select_n3A_564 = arith.select %ge3A_551, %broadcast_in_dim3A_341, %get3A_559 : vector<16xi1>, vector<16xi32>
        %swap3A_565 = arith.index_cast %select_n3A_278 : i32 to index
        %swap3A_566 = arith.index_cast %select_n3A_532 : i32 to index
        %swap3A_567 = arith.index_cast %select_n3A_548 : i32 to index
        %swap3A_568 = tpu.vector_load %arg9[%swap3A_565, %swap3A_566, %swap3A_567] {strides = array<i32>} : memref<3x8x64xi32, #tpu.memory_space<vmem>>, vector<16xi32>,
        tpu.vector_store %arg9[%swap3A_565, %swap3A_566, %swap3A_567], %select_n3A_564 {strides = array<i32>} : memref<3x8x64xi32, #tpu.memory_space<vmem>>, vector<16xi32>,
        %while3A_569 = arith.constant 0 : i32
        scf.yield %while3A_569 : i32
      }
      %while3A_401 = arith.constant 1 : i32
      %while3A_402 = scf.for %while3A_505 = %while3A_398 to %while3A_394 step %while3A_401 iter_args(%while3A_506 = %while3A_400) -> (i32)  : i32 {
        %mul3A_507 = arith.constant 16 : i32
        %mul3A_508 = arith.muli %while3A_505, %mul3A_507 : i32
        %jit3A_509 = arith.constant 64 : i32
        %div3A_510 = arith.divsi %mul3A_508, %jit3A_509 : i32
        %sign3A_511 = arith.constant 0 : i32
        %sign3A_512 = arith.cmpi sgt, %mul3A_508, %sign3A_511 : i32
        %sign3A_513 = arith.extui %sign3A_512 : i1 to i32
        %sign3A_514 = arith.constant 0 : i32
        %sign3A_515 = arith.cmpi slt, %mul3A_508, %sign3A_514 : i32
        %sign3A_516 = arith.extui %sign3A_515 : i1 to i32
        %sign3A_517 = arith.subi %sign3A_513, %sign3A_516 : i32
        %sign3A_518 = arith.constant 0 : i32
        %sign3A_519 = arith.cmpi sgt, %jit3A_509, %sign3A_518 : i32
        %sign3A_520 = arith.extui %sign3A_519 : i1 to i32
        %sign3A_521 = arith.constant 0 : i32
        %sign3A_522 = arith.cmpi slt, %jit3A_509, %sign3A_521 : i32
        %sign3A_523 = arith.extui %sign3A_522 : i1 to i32
        %sign3A_524 = arith.subi %sign3A_520, %sign3A_523 : i32
        %ne3A_525 = arith.cmpi ne, %sign3A_517, %sign3A_524 : i32
        %rem3A_526 = arith.remsi %mul3A_508, %jit3A_509 : i32
        %ne3A_527 = arith.constant 0 : i32
        %ne3A_528 = arith.cmpi ne, %rem3A_526, %ne3A_527 : i32
        %and3A_529 = arith.andi %ne3A_525, %ne3A_528 : i1
        %sub3A_530 = arith.constant 1 : i32
        %sub3A_531 = arith.subi %div3A_510, %sub3A_530 : i32
        %select_n3A_532 = arith.select %and3A_529, %sub3A_531, %div3A_510 : i32
        %jit3A_533 = arith.constant 64 : i32
        %eq3A_534 = arith.constant 0 : i32
        %eq3A_535 = arith.cmpi eq, %jit3A_533, %eq3A_534 : i32
        %jit3A_536 = arith.constant 1 : i32
        %select_n3A_537 = arith.select %eq3A_535, %jit3A_536, %jit3A_533 : i32
        %rem3A_538 = arith.remsi %mul3A_508, %select_n3A_537 : i32
        %ne3A_539 = arith.constant 0 : i32
        %ne3A_540 = arith.cmpi ne, %rem3A_538, %ne3A_539 : i32
        %lt3A_541 = arith.constant 0 : i32
        %lt3A_542 = arith.cmpi slt, %rem3A_538, %lt3A_541 : i32
        %lt3A_543 = arith.constant 0 : i32
        %lt3A_544 = arith.cmpi slt, %select_n3A_537, %lt3A_543 : i32
        %ne3A_545 = arith.xori %lt3A_542, %lt3A_544 : i1
        %and3A_546 = arith.andi %ne3A_545, %ne3A_540 : i1
        %add3A_547 = arith.addi %rem3A_538, %select_n3A_537 : i32
        %select_n3A_548 = arith.select %and3A_546, %add3A_547, %rem3A_538 : i32
        %add3A_549 = vector.broadcast %mul3A_508 : i32 to vector<16xi32>
        %add3A_550 = arith.addi %add3A_549, %iota3A : vector<16xi32>
        %ge3A = vector.broadcast %scan3A_300 : i32 to vector<16xi32>
        %ge3A_551 = arith.cmpi sge, %add3A_550, %ge3A : vector<16xi32>
        %get3A_552 = arith.index_cast %select_n3A_278 : i32 to index
        %get3A_553 = arith.index_cast %select_n3A_532 : i32 to index
        %get3A_554 = arith.index_cast %select_n3A_548 : i32 to index
        %get3A_555 = tpu.vector_load %arg8[%get3A_552, %get3A_553, %get3A_554] {strides = array<i32>} : memref<3x8x64xi32, #tpu.memory_space<vmem>>, vector<16xi32>,
        %get3A_556 = arith.index_cast %select_n3A_278 : i32 to index
        %get3A_557 = arith.index_cast %select_n3A_532 : i32 to index
        %get3A_558 = arith.index_cast %select_n3A_548 : i32 to index
        %get3A_559 = tpu.vector_load %arg9[%get3A_556, %get3A_557, %get3A_558] {strides = array<i32>} : memref<3x8x64xi32, #tpu.memory_space<vmem>>, vector<16xi32>,
        %select_n3A_560 = arith.select %ge3A_551, %broadcast_in_dim3A, %get3A_555 : vector<16xi1>, vector<16xi32>
        %swap3A = arith.index_cast %select_n3A_278 : i32 to index
        %swap3A_561 = arith.index_cast %select_n3A_532 : i32 to index
        %swap3A_562 = arith.index_cast %select_n3A_548 : i32 to index
        %swap3A_563 = tpu.vector_load %arg8[%swap3A, %swap3A_561, %swap3A_562] {strides = array<i32>} : memref<3x8x64xi32, #tpu.memory_space<vmem>>, vector<16xi32>,
        tpu.vector_store %arg8[%swap3A, %swap3A_561, %swap3A_562], %select_n3A_560 {strides = array<i32>} : memref<3x8x64xi32, #tpu.memory_space<vmem>>, vector<16xi32>,
        %select_n3A_564 = arith.select %ge3A_551, %broadcast_in_dim3A_341, %get3A_559 : vector<16xi1>, vector<16xi32>
        %swap3A_565 = arith.index_cast %select_n3A_278 : i32 to index
        %swap3A_566 = arith.index_cast %select_n3A_532 : i32 to index
        %swap3A_567 = arith.index_cast %select_n3A_548 : i32 to index
        %swap3A_568 = tpu.vector_load %arg9[%swap3A_565, %swap3A_566, %swap3A_567] {strides = array<i32>} : memref<3x8x64xi32, #tpu.memory_space<vmem>>, vector<16xi32>,
        tpu.vector_store %arg9[%swap3A_565, %swap3A_566, %swap3A_567], %select_n3A_564 {strides = array<i32>} : memref<3x8x64xi32, #tpu.memory_space<vmem>>, vector<16xi32>,
        %while3A_569 = arith.constant 0 : i32
        scf.yield %while3A_569 : i32
      }
      %gt3A = arith.constant 1 : i32
      %gt3A_403 = arith.cmpi sgt, %scan3A_246, %gt3A : i32
      %convert_element_type3A_404 = arith.extui %gt3A_403 : i1 to i32
      %cond3A_405 = arith.constant 0 : i32
      %cond3A_406 = arith.cmpi ne, %convert_element_type3A_404, %cond3A_405 : i32
      scf.if %cond3A_406 {
        %dma_wait3A_505 = arith.constant 0 : i32
        %dma_wait3A_506 = tpu.memref_slice %arg5[%add3A_281, %dma_wait3A_505] : memref<819200x64xf32, #tpu.memory_space<hbm>> -> memref<512x64xf32, #tpu.memory_space<hbm>>
        %dma_wait3A_507 = arith.constant 0 : i32
        %dma_wait3A_508 = arith.constant 0 : i32
        %dma_wait3A_509 = tpu.memref_slice %arg12[%arg1, %dma_wait3A_507, %dma_wait3A_508] : memref<16x512x64xf32, #tpu.memory_space<vmem_shared>> -> memref<1x512x64xf32, #tpu.memory_space<vmem_shared>>
        %dma_wait3A_510 = tpu.memref_squeeze %dma_wait3A_509 : memref<1x512x64xf32, #tpu.memory_space<vmem_shared>> -> memref<512x64xf32, #tpu.memory_space<vmem_shared>>
        tpu.wait_dma2 semaphore(%arg16 : memref<!tpu.dma_semaphore, #tpu.memory_space<semaphore_mem>>) src(%dma_wait3A_510 : memref<512x64xf32, #tpu.memory_space<vmem_shared>>) dst(%dma_wait3A_506 : memref<512x64xf32, #tpu.memory_space<hbm>>)
      } else {
      }
      %gt3A_407 = arith.constant 0 : i32
      %gt3A_408 = arith.cmpi sgt, %scan3A_246, %gt3A_407 : i32
      %convert_element_type3A_409 = arith.extui %gt3A_408 : i1 to i32
      %cond3A_410 = arith.constant 0 : i32
      %cond3A_411 = arith.cmpi ne, %convert_element_type3A_409, %cond3A_410 : i32
      scf.if %cond3A_411 {
        %sub3A_505 = arith.constant 1 : i32
        %sub3A_506 = arith.subi %sub3A_505, %select_n3A_262 : i32
        %dma_wait3A_507 = arith.constant 0 : i32
        %dma_wait3A_508 = arith.constant 0 : i32
        %dma_wait3A_509 = arith.constant 0 : i32
        %dma_wait3A_510 = tpu.memref_slice %arg10[%sub3A_506, %dma_wait3A_508, %dma_wait3A_509] : memref<2x512x64xf32, #tpu.memory_space<vmem>> -> memref<1x64x64xf32, #tpu.memory_space<vmem>>
        %dma_wait3A_511 = tpu.memref_squeeze %dma_wait3A_510 : memref<1x64x64xf32, #tpu.memory_space<vmem>> -> memref<64x64xf32, #tpu.memory_space<vmem>>
        %dma_wait3A_512 = arith.constant 0 : i32
        %dma_wait3A_513 = tpu.memref_slice %arg7[%sub3A_506, %dma_wait3A_507, %dma_wait3A_512] : memref<2x8x64xi32, #tpu.memory_space<vmem>> -> memref<1x1x64xi32, #tpu.memory_space<vmem>>
        %dma_wait3A_514 = tpu.memref_squeeze %dma_wait3A_513 : memref<1x1x64xi32, #tpu.memory_space<vmem>> -> memref<64xi32, #tpu.memory_space<vmem>>
        %dma_wait3A_515 = arith.constant 0 : i32
        %dma_wait3A_516 = arith.constant 0 : i32
        %dma_wait3A_517 = tpu.memref_slice %arg3[%dma_wait3A_515, %dma_wait3A_516] : memref<900000x64xf32, #tpu.memory_space<hbm>> -> memref<900000x64xf32, #tpu.memory_space<hbm>>
        tpu.wait_indirect_dma semaphore(%arg14 : memref<!tpu.dma_semaphore, #tpu.memory_space<semaphore_mem>>) src(%dma_wait3A_517 : memref<900000x64xf32, #tpu.memory_space<hbm>>) dst(%dma_wait3A_511 : memref<64x64xf32, #tpu.memory_space<vmem>>)
        %dma_wait3A_518 = arith.constant 1 : i32
        %dma_wait3A_519 = arith.constant 64 : i32
        %dma_wait3A_520 = arith.constant 0 : i32
        %dma_wait3A_521 = tpu.memref_slice %arg10[%sub3A_506, %dma_wait3A_519, %dma_wait3A_520] : memref<2x512x64xf32, #tpu.memory_space<vmem>> -> memref<1x64x64xf32, #tpu.memory_space<vmem>>
        %dma_wait3A_522 = tpu.memref_squeeze %dma_wait3A_521 : memref<1x64x64xf32, #tpu.memory_space<vmem>> -> memref<64x64xf32, #tpu.memory_space<vmem>>
        %dma_wait3A_523 = arith.constant 0 : i32
        %dma_wait3A_524 = tpu.memref_slice %arg7[%sub3A_506, %dma_wait3A_518, %dma_wait3A_523] : memref<2x8x64xi32, #tpu.memory_space<vmem>> -> memref<1x1x64xi32, #tpu.memory_space<vmem>>
        %dma_wait3A_525 = tpu.memref_squeeze %dma_wait3A_524 : memref<1x1x64xi32, #tpu.memory_space<vmem>> -> memref<64xi32, #tpu.memory_space<vmem>>
        %dma_wait3A_526 = arith.constant 0 : i32
        %dma_wait3A_527 = arith.constant 0 : i32
        %dma_wait3A_528 = tpu.memref_slice %arg3[%dma_wait3A_526, %dma_wait3A_527] : memref<900000x64xf32, #tpu.memory_space<hbm>> -> memref<900000x64xf32, #tpu.memory_space<hbm>>
        tpu.wait_indirect_dma semaphore(%arg14 : memref<!tpu.dma_semaphore, #tpu.memory_space<semaphore_mem>>) src(%dma_wait3A_528 : memref<900000x64xf32, #tpu.memory_space<hbm>>) dst(%dma_wait3A_522 : memref<64x64xf32, #tpu.memory_space<vmem>>)
        %dma_wait3A_529 = arith.constant 2 : i32
        %dma_wait3A_530 = arith.constant 128 : i32
        %dma_wait3A_531 = arith.constant 0 : i32
        %dma_wait3A_532 = tpu.memref_slice %arg10[%sub3A_506, %dma_wait3A_530, %dma_wait3A_531] : memref<2x512x64xf32, #tpu.memory_space<vmem>> -> memref<1x64x64xf32, #tpu.memory_space<vmem>>
        %dma_wait3A_533 = tpu.memref_squeeze %dma_wait3A_532 : memref<1x64x64xf32, #tpu.memory_space<vmem>> -> memref<64x64xf32, #tpu.memory_space<vmem>>
        %dma_wait3A_534 = arith.constant 0 : i32
        %dma_wait3A_535 = tpu.memref_slice %arg7[%sub3A_506, %dma_wait3A_529, %dma_wait3A_534] : memref<2x8x64xi32, #tpu.memory_space<vmem>> -> memref<1x1x64xi32, #tpu.memory_space<vmem>>
        %dma_wait3A_536 = tpu.memref_squeeze %dma_wait3A_535 : memref<1x1x64xi32, #tpu.memory_space<vmem>> -> memref<64xi32, #tpu.memory_space<vmem>>
        %dma_wait3A_537 = arith.constant 0 : i32
        %dma_wait3A_538 = arith.constant 0 : i32
        %dma_wait3A_539 = tpu.memref_slice %arg3[%dma_wait3A_537, %dma_wait3A_538] : memref<900000x64xf32, #tpu.memory_space<hbm>> -> memref<900000x64xf32, #tpu.memory_space<hbm>>
        tpu.wait_indirect_dma semaphore(%arg14 : memref<!tpu.dma_semaphore, #tpu.memory_space<semaphore_mem>>) src(%dma_wait3A_539 : memref<900000x64xf32, #tpu.memory_space<hbm>>) dst(%dma_wait3A_533 : memref<64x64xf32, #tpu.memory_space<vmem>>)
        %dma_wait3A_540 = arith.constant 3 : i32
        %dma_wait3A_541 = arith.constant 192 : i32
        %dma_wait3A_542 = arith.constant 0 : i32
        %dma_wait3A_543 = tpu.memref_slice %arg10[%sub3A_506, %dma_wait3A_541, %dma_wait3A_542] : memref<2x512x64xf32, #tpu.memory_space<vmem>> -> memref<1x64x64xf32, #tpu.memory_space<vmem>>
        %dma_wait3A_544 = tpu.memref_squeeze %dma_wait3A_543 : memref<1x64x64xf32, #tpu.memory_space<vmem>> -> memref<64x64xf32, #tpu.memory_space<vmem>>
        %dma_wait3A_545 = arith.constant 0 : i32
        %dma_wait3A_546 = tpu.memref_slice %arg7[%sub3A_506, %dma_wait3A_540, %dma_wait3A_545] : memref<2x8x64xi32, #tpu.memory_space<vmem>> -> memref<1x1x64xi32, #tpu.memory_space<vmem>>
        %dma_wait3A_547 = tpu.memref_squeeze %dma_wait3A_546 : memref<1x1x64xi32, #tpu.memory_space<vmem>> -> memref<64xi32, #tpu.memory_space<vmem>>
        %dma_wait3A_548 = arith.constant 0 : i32
        %dma_wait3A_549 = arith.constant 0 : i32
        %dma_wait3A_550 = tpu.memref_slice %arg3[%dma_wait3A_548, %dma_wait3A_549] : memref<900000x64xf32, #tpu.memory_space<hbm>> -> memref<900000x64xf32, #tpu.memory_space<hbm>>
        tpu.wait_indirect_dma semaphore(%arg14 : memref<!tpu.dma_semaphore, #tpu.memory_space<semaphore_mem>>) src(%dma_wait3A_550 : memref<900000x64xf32, #tpu.memory_space<hbm>>) dst(%dma_wait3A_544 : memref<64x64xf32, #tpu.memory_space<vmem>>)
        %dma_wait3A_551 = arith.constant 4 : i32
        %dma_wait3A_552 = arith.constant 256 : i32
        %dma_wait3A_553 = arith.constant 0 : i32
        %dma_wait3A_554 = tpu.memref_slice %arg10[%sub3A_506, %dma_wait3A_552, %dma_wait3A_553] : memref<2x512x64xf32, #tpu.memory_space<vmem>> -> memref<1x64x64xf32, #tpu.memory_space<vmem>>
        %dma_wait3A_555 = tpu.memref_squeeze %dma_wait3A_554 : memref<1x64x64xf32, #tpu.memory_space<vmem>> -> memref<64x64xf32, #tpu.memory_space<vmem>>
        %dma_wait3A_556 = arith.constant 0 : i32
        %dma_wait3A_557 = tpu.memref_slice %arg7[%sub3A_506, %dma_wait3A_551, %dma_wait3A_556] : memref<2x8x64xi32, #tpu.memory_space<vmem>> -> memref<1x1x64xi32, #tpu.memory_space<vmem>>
        %dma_wait3A_558 = tpu.memref_squeeze %dma_wait3A_557 : memref<1x1x64xi32, #tpu.memory_space<vmem>> -> memref<64xi32, #tpu.memory_space<vmem>>
        %dma_wait3A_559 = arith.constant 0 : i32
        %dma_wait3A_560 = arith.constant 0 : i32
        %dma_wait3A_561 = tpu.memref_slice %arg3[%dma_wait3A_559, %dma_wait3A_560] : memref<900000x64xf32, #tpu.memory_space<hbm>> -> memref<900000x64xf32, #tpu.memory_space<hbm>>
        tpu.wait_indirect_dma semaphore(%arg14 : memref<!tpu.dma_semaphore, #tpu.memory_space<semaphore_mem>>) src(%dma_wait3A_561 : memref<900000x64xf32, #tpu.memory_space<hbm>>) dst(%dma_wait3A_555 : memref<64x64xf32, #tpu.memory_space<vmem>>)
        %dma_wait3A_562 = arith.constant 5 : i32
        %dma_wait3A_563 = arith.constant 320 : i32
        %dma_wait3A_564 = arith.constant 0 : i32
        %dma_wait3A_565 = tpu.memref_slice %arg10[%sub3A_506, %dma_wait3A_563, %dma_wait3A_564] : memref<2x512x64xf32, #tpu.memory_space<vmem>> -> memref<1x64x64xf32, #tpu.memory_space<vmem>>
        %dma_wait3A_566 = tpu.memref_squeeze %dma_wait3A_565 : memref<1x64x64xf32, #tpu.memory_space<vmem>> -> memref<64x64xf32, #tpu.memory_space<vmem>>
        %dma_wait3A_567 = arith.constant 0 : i32
        %dma_wait3A_568 = tpu.memref_slice %arg7[%sub3A_506, %dma_wait3A_562, %dma_wait3A_567] : memref<2x8x64xi32, #tpu.memory_space<vmem>> -> memref<1x1x64xi32, #tpu.memory_space<vmem>>
        %dma_wait3A_569 = tpu.memref_squeeze %dma_wait3A_568 : memref<1x1x64xi32, #tpu.memory_space<vmem>> -> memref<64xi32, #tpu.memory_space<vmem>>
        %dma_wait3A_570 = arith.constant 0 : i32
        %dma_wait3A_571 = arith.constant 0 : i32
        %dma_wait3A_572 = tpu.memref_slice %arg3[%dma_wait3A_570, %dma_wait3A_571] : memref<900000x64xf32, #tpu.memory_space<hbm>> -> memref<900000x64xf32, #tpu.memory_space<hbm>>
        tpu.wait_indirect_dma semaphore(%arg14 : memref<!tpu.dma_semaphore, #tpu.memory_space<semaphore_mem>>) src(%dma_wait3A_572 : memref<900000x64xf32, #tpu.memory_space<hbm>>) dst(%dma_wait3A_566 : memref<64x64xf32, #tpu.memory_space<vmem>>)
        %dma_wait3A_573 = arith.constant 6 : i32
        %dma_wait3A_574 = arith.constant 384 : i32
        %dma_wait3A_575 = arith.constant 0 : i32
        %dma_wait3A_576 = tpu.memref_slice %arg10[%sub3A_506, %dma_wait3A_574, %dma_wait3A_575] : memref<2x512x64xf32, #tpu.memory_space<vmem>> -> memref<1x64x64xf32, #tpu.memory_space<vmem>>
        %dma_wait3A_577 = tpu.memref_squeeze %dma_wait3A_576 : memref<1x64x64xf32, #tpu.memory_space<vmem>> -> memref<64x64xf32, #tpu.memory_space<vmem>>
        %dma_wait3A_578 = arith.constant 0 : i32
        %dma_wait3A_579 = tpu.memref_slice %arg7[%sub3A_506, %dma_wait3A_573, %dma_wait3A_578] : memref<2x8x64xi32, #tpu.memory_space<vmem>> -> memref<1x1x64xi32, #tpu.memory_space<vmem>>
        %dma_wait3A_580 = tpu.memref_squeeze %dma_wait3A_579 : memref<1x1x64xi32, #tpu.memory_space<vmem>> -> memref<64xi32, #tpu.memory_space<vmem>>
        %dma_wait3A_581 = arith.constant 0 : i32
        %dma_wait3A_582 = arith.constant 0 : i32
        %dma_wait3A_583 = tpu.memref_slice %arg3[%dma_wait3A_581, %dma_wait3A_582] : memref<900000x64xf32, #tpu.memory_space<hbm>> -> memref<900000x64xf32, #tpu.memory_space<hbm>>
        tpu.wait_indirect_dma semaphore(%arg14 : memref<!tpu.dma_semaphore, #tpu.memory_space<semaphore_mem>>) src(%dma_wait3A_583 : memref<900000x64xf32, #tpu.memory_space<hbm>>) dst(%dma_wait3A_577 : memref<64x64xf32, #tpu.memory_space<vmem>>)
        %dma_wait3A_584 = arith.constant 7 : i32
        %dma_wait3A_585 = arith.constant 448 : i32
        %dma_wait3A_586 = arith.constant 0 : i32
        %dma_wait3A_587 = tpu.memref_slice %arg10[%sub3A_506, %dma_wait3A_585, %dma_wait3A_586] : memref<2x512x64xf32, #tpu.memory_space<vmem>> -> memref<1x64x64xf32, #tpu.memory_space<vmem>>
        %dma_wait3A_588 = tpu.memref_squeeze %dma_wait3A_587 : memref<1x64x64xf32, #tpu.memory_space<vmem>> -> memref<64x64xf32, #tpu.memory_space<vmem>>
        %dma_wait3A_589 = arith.constant 0 : i32
        %dma_wait3A_590 = tpu.memref_slice %arg7[%sub3A_506, %dma_wait3A_584, %dma_wait3A_589] : memref<2x8x64xi32, #tpu.memory_space<vmem>> -> memref<1x1x64xi32, #tpu.memory_space<vmem>>
        %dma_wait3A_591 = tpu.memref_squeeze %dma_wait3A_590 : memref<1x1x64xi32, #tpu.memory_space<vmem>> -> memref<64xi32, #tpu.memory_space<vmem>>
        %dma_wait3A_592 = arith.constant 0 : i32
        %dma_wait3A_593 = arith.constant 0 : i32
        %dma_wait3A_594 = tpu.memref_slice %arg3[%dma_wait3A_592, %dma_wait3A_593] : memref<900000x64xf32, #tpu.memory_space<hbm>> -> memref<900000x64xf32, #tpu.memory_space<hbm>>
        tpu.wait_indirect_dma semaphore(%arg14 : memref<!tpu.dma_semaphore, #tpu.memory_space<semaphore_mem>>) src(%dma_wait3A_594 : memref<900000x64xf32, #tpu.memory_space<hbm>>) dst(%dma_wait3A_588 : memref<64x64xf32, #tpu.memory_space<vmem>>)
        %sub3A_595 = arith.constant 1 : i32
        %sub3A_596 = arith.subi %sub3A_595, %select_n3A_262 : i32
        %dma_start3A_597 = arith.constant 0 : i32
        %dma_start3A_598 = arith.constant 0 : i32
        %dma_start3A_599 = tpu.memref_slice %arg10[%sub3A_596, %dma_start3A_597, %dma_start3A_598] : memref<2x512x64xf32, #tpu.memory_space<vmem>> -> memref<1x512x64xf32, #tpu.memory_space<vmem>>
        %dma_start3A_600 = tpu.memref_squeeze %dma_start3A_599 : memref<1x512x64xf32, #tpu.memory_space<vmem>> -> memref<512x64xf32, #tpu.memory_space<vmem>>
        %dma_start3A_601 = arith.constant 0 : i32
        %dma_start3A_602 = arith.constant 0 : i32
        %dma_start3A_603 = tpu.memref_slice %arg12[%arg1, %dma_start3A_601, %dma_start3A_602] : memref<16x512x64xf32, #tpu.memory_space<vmem_shared>> -> memref<1x512x64xf32, #tpu.memory_space<vmem_shared>>
        %dma_start3A_604 = tpu.memref_squeeze %dma_start3A_603 : memref<1x512x64xf32, #tpu.memory_space<vmem_shared>> -> memref<512x64xf32, #tpu.memory_space<vmem_shared>>
        %dma_start3A_605 = arith.constant 0 : i32
        %dma_start3A_606 = arith.constant 0 : i32
        %dma_start3A_607 = tpu.memref_slice %arg12[%arg1, %dma_start3A_605, %dma_start3A_606] : memref<16x512x64xf32, #tpu.memory_space<vmem_shared>> -> memref<1x512x64xf32, #tpu.memory_space<vmem_shared>>
        %dma_start3A_608 = tpu.memref_squeeze %dma_start3A_607 : memref<1x512x64xf32, #tpu.memory_space<vmem_shared>> -> memref<512x64xf32, #tpu.memory_space<vmem_shared>>
        %dma_start3A_609 = arith.constant 0 : i32
        %dma_start3A_610 = arith.constant 0 : i32
        %dma_start3A_611 = tpu.memref_slice %arg10[%sub3A_596, %dma_start3A_609, %dma_start3A_610] : memref<2x512x64xf32, #tpu.memory_space<vmem>> -> memref<1x512x64xf32, #tpu.memory_space<vmem>>
        %dma_start3A_612 = tpu.memref_squeeze %dma_start3A_611 : memref<1x512x64xf32, #tpu.memory_space<vmem>> -> memref<512x64xf32, #tpu.memory_space<vmem>>
        tpu.enqueue_dma source(%dma_start3A_612 : memref<512x64xf32, #tpu.memory_space<vmem>>) target(%dma_start3A_608 : memref<512x64xf32, #tpu.memory_space<vmem_shared>>) target_semaphore(%arg15 : memref<!tpu.dma_semaphore, #tpu.memory_space<semaphore_mem>>)
        %sub3A_613 = arith.constant 1 : i32
        %sub3A_614 = arith.subi %sub3A_613, %select_n3A_262 : i32
        %dma_wait3A_615 = arith.constant 0 : i32
        %dma_wait3A_616 = arith.constant 0 : i32
        %dma_wait3A_617 = tpu.memref_slice %arg10[%sub3A_614, %dma_wait3A_615, %dma_wait3A_616] : memref<2x512x64xf32, #tpu.memory_space<vmem>> -> memref<1x512x64xf32, #tpu.memory_space<vmem>>
        %dma_wait3A_618 = tpu.memref_squeeze %dma_wait3A_617 : memref<1x512x64xf32, #tpu.memory_space<vmem>> -> memref<512x64xf32, #tpu.memory_space<vmem>>
        %dma_wait3A_619 = arith.constant 0 : i32
        %dma_wait3A_620 = arith.constant 0 : i32
        %dma_wait3A_621 = tpu.memref_slice %arg12[%arg1, %dma_wait3A_619, %dma_wait3A_620] : memref<16x512x64xf32, #tpu.memory_space<vmem_shared>> -> memref<1x512x64xf32, #tpu.memory_space<vmem_shared>>
        %dma_wait3A_622 = tpu.memref_squeeze %dma_wait3A_621 : memref<1x512x64xf32, #tpu.memory_space<vmem_shared>> -> memref<512x64xf32, #tpu.memory_space<vmem_shared>>
        %dma_wait3A_623 = arith.constant 0 : i32
        %dma_wait3A_624 = arith.constant 0 : i32
        %dma_wait3A_625 = tpu.memref_slice %arg12[%arg1, %dma_wait3A_623, %dma_wait3A_624] : memref<16x512x64xf32, #tpu.memory_space<vmem_shared>> -> memref<1x512x64xf32, #tpu.memory_space<vmem_shared>>
        %dma_wait3A_626 = tpu.memref_squeeze %dma_wait3A_625 : memref<1x512x64xf32, #tpu.memory_space<vmem_shared>> -> memref<512x64xf32, #tpu.memory_space<vmem_shared>>
        %dma_wait3A_627 = arith.constant 0 : i32
        %dma_wait3A_628 = arith.constant 0 : i32
        %dma_wait3A_629 = tpu.memref_slice %arg10[%sub3A_614, %dma_wait3A_627, %dma_wait3A_628] : memref<2x512x64xf32, #tpu.memory_space<vmem>> -> memref<1x512x64xf32, #tpu.memory_space<vmem>>
        %dma_wait3A_630 = tpu.memref_squeeze %dma_wait3A_629 : memref<1x512x64xf32, #tpu.memory_space<vmem>> -> memref<512x64xf32, #tpu.memory_space<vmem>>
        tpu.wait_dma2 semaphore(%arg15 : memref<!tpu.dma_semaphore, #tpu.memory_space<semaphore_mem>>) src(%dma_wait3A_630 : memref<512x64xf32, #tpu.memory_space<vmem>>) dst(%dma_wait3A_626 : memref<512x64xf32, #tpu.memory_space<vmem_shared>>)
        %sub3A_631 = arith.constant 512 : i32
        %sub3A_632 = arith.subi %add3A_281, %sub3A_631 : i32
        %dma_start3A_633 = arith.constant 0 : i32
        %dma_start3A_634 = tpu.memref_slice %arg5[%sub3A_632, %dma_start3A_633] : memref<819200x64xf32, #tpu.memory_space<hbm>> -> memref<512x64xf32, #tpu.memory_space<hbm>>
        %dma_start3A_635 = arith.constant 0 : i32
        %dma_start3A_636 = arith.constant 0 : i32
        %dma_start3A_637 = tpu.memref_slice %arg12[%arg1, %dma_start3A_635, %dma_start3A_636] : memref<16x512x64xf32, #tpu.memory_space<vmem_shared>> -> memref<1x512x64xf32, #tpu.memory_space<vmem_shared>>
        %dma_start3A_638 = tpu.memref_squeeze %dma_start3A_637 : memref<1x512x64xf32, #tpu.memory_space<vmem_shared>> -> memref<512x64xf32, #tpu.memory_space<vmem_shared>>
        tpu.enqueue_dma source(%dma_start3A_638 : memref<512x64xf32, #tpu.memory_space<vmem_shared>>) target(%dma_start3A_634 : memref<512x64xf32, #tpu.memory_space<hbm>>) target_semaphore(%arg16 : memref<!tpu.dma_semaphore, #tpu.memory_space<semaphore_mem>>)
      } else {
      }
      %dma_start3A_412 = arith.constant 0 : i32
      %dma_start3A_413 = arith.constant 0 : i32
      %dma_start3A_414 = arith.constant 0 : i32
      %dma_start3A_415 = tpu.memref_slice %arg10[%select_n3A_262, %dma_start3A_413, %dma_start3A_414] : memref<2x512x64xf32, #tpu.memory_space<vmem>> -> memref<1x64x64xf32, #tpu.memory_space<vmem>>
      %dma_start3A_416 = tpu.memref_squeeze %dma_start3A_415 : memref<1x64x64xf32, #tpu.memory_space<vmem>> -> memref<64x64xf32, #tpu.memory_space<vmem>>
      %dma_start3A_417 = arith.constant 0 : i32
      %dma_start3A_418 = tpu.memref_slice %arg7[%select_n3A_262, %dma_start3A_412, %dma_start3A_417] : memref<2x8x64xi32, #tpu.memory_space<vmem>> -> memref<1x1x64xi32, #tpu.memory_space<vmem>>
      %dma_start3A_419 = tpu.memref_squeeze %dma_start3A_418 : memref<1x1x64xi32, #tpu.memory_space<vmem>> -> memref<64xi32, #tpu.memory_space<vmem>>
      %dma_start3A_420 = arith.constant 0 : i32
      %dma_start3A_421 = arith.constant 0 : i32
      %dma_start3A_422 = tpu.memref_slice %arg3[%dma_start3A_420, %dma_start3A_421] : memref<900000x64xf32, #tpu.memory_space<hbm>> -> memref<900000x64xf32, #tpu.memory_space<hbm>>
      tpu.enqueue_indirect_dma source(%dma_start3A_422 : memref<900000x64xf32, #tpu.memory_space<hbm>>) target(%dma_start3A_416 : memref<64x64xf32, #tpu.memory_space<vmem>>) offsets(%dma_start3A_419 : memref<64xi32, #tpu.memory_space<vmem>>) semaphore(%arg14 : memref<!tpu.dma_semaphore, #tpu.memory_space<semaphore_mem>>)
      %dma_start3A_423 = arith.constant 1 : i32
      %dma_start3A_424 = arith.constant 64 : i32
      %dma_start3A_425 = arith.constant 0 : i32
      %dma_start3A_426 = tpu.memref_slice %arg10[%select_n3A_262, %dma_start3A_424, %dma_start3A_425] : memref<2x512x64xf32, #tpu.memory_space<vmem>> -> memref<1x64x64xf32, #tpu.memory_space<vmem>>
      %dma_start3A_427 = tpu.memref_squeeze %dma_start3A_426 : memref<1x64x64xf32, #tpu.memory_space<vmem>> -> memref<64x64xf32, #tpu.memory_space<vmem>>
      %dma_start3A_428 = arith.constant 0 : i32
      %dma_start3A_429 = tpu.memref_slice %arg7[%select_n3A_262, %dma_start3A_423, %dma_start3A_428] : memref<2x8x64xi32, #tpu.memory_space<vmem>> -> memref<1x1x64xi32, #tpu.memory_space<vmem>>
      %dma_start3A_430 = tpu.memref_squeeze %dma_start3A_429 : memref<1x1x64xi32, #tpu.memory_space<vmem>> -> memref<64xi32, #tpu.memory_space<vmem>>
      %dma_start3A_431 = arith.constant 0 : i32
      %dma_start3A_432 = arith.constant 0 : i32
      %dma_start3A_433 = tpu.memref_slice %arg3[%dma_start3A_431, %dma_start3A_432] : memref<900000x64xf32, #tpu.memory_space<hbm>> -> memref<900000x64xf32, #tpu.memory_space<hbm>>
      tpu.enqueue_indirect_dma source(%dma_start3A_433 : memref<900000x64xf32, #tpu.memory_space<hbm>>) target(%dma_start3A_427 : memref<64x64xf32, #tpu.memory_space<vmem>>) offsets(%dma_start3A_430 : memref<64xi32, #tpu.memory_space<vmem>>) semaphore(%arg14 : memref<!tpu.dma_semaphore, #tpu.memory_space<semaphore_mem>>)
      %dma_start3A_434 = arith.constant 2 : i32
      %dma_start3A_435 = arith.constant 128 : i32
      %dma_start3A_436 = arith.constant 0 : i32
      %dma_start3A_437 = tpu.memref_slice %arg10[%select_n3A_262, %dma_start3A_435, %dma_start3A_436] : memref<2x512x64xf32, #tpu.memory_space<vmem>> -> memref<1x64x64xf32, #tpu.memory_space<vmem>>
      %dma_start3A_438 = tpu.memref_squeeze %dma_start3A_437 : memref<1x64x64xf32, #tpu.memory_space<vmem>> -> memref<64x64xf32, #tpu.memory_space<vmem>>
      %dma_start3A_439 = arith.constant 0 : i32
      %dma_start3A_440 = tpu.memref_slice %arg7[%select_n3A_262, %dma_start3A_434, %dma_start3A_439] : memref<2x8x64xi32, #tpu.memory_space<vmem>> -> memref<1x1x64xi32, #tpu.memory_space<vmem>>
      %dma_start3A_441 = tpu.memref_squeeze %dma_start3A_440 : memref<1x1x64xi32, #tpu.memory_space<vmem>> -> memref<64xi32, #tpu.memory_space<vmem>>
      %dma_start3A_442 = arith.constant 0 : i32
      %dma_start3A_443 = arith.constant 0 : i32
      %dma_start3A_444 = tpu.memref_slice %arg3[%dma_start3A_442, %dma_start3A_443] : memref<900000x64xf32, #tpu.memory_space<hbm>> -> memref<900000x64xf32, #tpu.memory_space<hbm>>
      tpu.enqueue_indirect_dma source(%dma_start3A_444 : memref<900000x64xf32, #tpu.memory_space<hbm>>) target(%dma_start3A_438 : memref<64x64xf32, #tpu.memory_space<vmem>>) offsets(%dma_start3A_441 : memref<64xi32, #tpu.memory_space<vmem>>) semaphore(%arg14 : memref<!tpu.dma_semaphore, #tpu.memory_space<semaphore_mem>>)
      %dma_start3A_445 = arith.constant 3 : i32
      %dma_start3A_446 = arith.constant 192 : i32
      %dma_start3A_447 = arith.constant 0 : i32
      %dma_start3A_448 = tpu.memref_slice %arg10[%select_n3A_262, %dma_start3A_446, %dma_start3A_447] : memref<2x512x64xf32, #tpu.memory_space<vmem>> -> memref<1x64x64xf32, #tpu.memory_space<vmem>>
      %dma_start3A_449 = tpu.memref_squeeze %dma_start3A_448 : memref<1x64x64xf32, #tpu.memory_space<vmem>> -> memref<64x64xf32, #tpu.memory_space<vmem>>
      %dma_start3A_450 = arith.constant 0 : i32
      %dma_start3A_451 = tpu.memref_slice %arg7[%select_n3A_262, %dma_start3A_445, %dma_start3A_450] : memref<2x8x64xi32, #tpu.memory_space<vmem>> -> memref<1x1x64xi32, #tpu.memory_space<vmem>>
      %dma_start3A_452 = tpu.memref_squeeze %dma_start3A_451 : memref<1x1x64xi32, #tpu.memory_space<vmem>> -> memref<64xi32, #tpu.memory_space<vmem>>
      %dma_start3A_453 = arith.constant 0 : i32
      %dma_start3A_454 = arith.constant 0 : i32
      %dma_start3A_455 = tpu.memref_slice %arg3[%dma_start3A_453, %dma_start3A_454] : memref<900000x64xf32, #tpu.memory_space<hbm>> -> memref<900000x64xf32, #tpu.memory_space<hbm>>
      tpu.enqueue_indirect_dma source(%dma_start3A_455 : memref<900000x64xf32, #tpu.memory_space<hbm>>) target(%dma_start3A_449 : memref<64x64xf32, #tpu.memory_space<vmem>>) offsets(%dma_start3A_452 : memref<64xi32, #tpu.memory_space<vmem>>) semaphore(%arg14 : memref<!tpu.dma_semaphore, #tpu.memory_space<semaphore_mem>>)
      %dma_start3A_456 = arith.constant 4 : i32
      %dma_start3A_457 = arith.constant 256 : i32
      %dma_start3A_458 = arith.constant 0 : i32
      %dma_start3A_459 = tpu.memref_slice %arg10[%select_n3A_262, %dma_start3A_457, %dma_start3A_458] : memref<2x512x64xf32, #tpu.memory_space<vmem>> -> memref<1x64x64xf32, #tpu.memory_space<vmem>>
      %dma_start3A_460 = tpu.memref_squeeze %dma_start3A_459 : memref<1x64x64xf32, #tpu.memory_space<vmem>> -> memref<64x64xf32, #tpu.memory_space<vmem>>
      %dma_start3A_461 = arith.constant 0 : i32
      %dma_start3A_462 = tpu.memref_slice %arg7[%select_n3A_262, %dma_start3A_456, %dma_start3A_461] : memref<2x8x64xi32, #tpu.memory_space<vmem>> -> memref<1x1x64xi32, #tpu.memory_space<vmem>>
      %dma_start3A_463 = tpu.memref_squeeze %dma_start3A_462 : memref<1x1x64xi32, #tpu.memory_space<vmem>> -> memref<64xi32, #tpu.memory_space<vmem>>
      %dma_start3A_464 = arith.constant 0 : i32
      %dma_start3A_465 = arith.constant 0 : i32
      %dma_start3A_466 = tpu.memref_slice %arg3[%dma_start3A_464, %dma_start3A_465] : memref<900000x64xf32, #tpu.memory_space<hbm>> -> memref<900000x64xf32, #tpu.memory_space<hbm>>
      tpu.enqueue_indirect_dma source(%dma_start3A_466 : memref<900000x64xf32, #tpu.memory_space<hbm>>) target(%dma_start3A_460 : memref<64x64xf32, #tpu.memory_space<vmem>>) offsets(%dma_start3A_463 : memref<64xi32, #tpu.memory_space<vmem>>) semaphore(%arg14 : memref<!tpu.dma_semaphore, #tpu.memory_space<semaphore_mem>>)
      %dma_start3A_467 = arith.constant 5 : i32
      %dma_start3A_468 = arith.constant 320 : i32
      %dma_start3A_469 = arith.constant 0 : i32
      %dma_start3A_470 = tpu.memref_slice %arg10[%select_n3A_262, %dma_start3A_468, %dma_start3A_469] : memref<2x512x64xf32, #tpu.memory_space<vmem>> -> memref<1x64x64xf32, #tpu.memory_space<vmem>>
      %dma_start3A_471 = tpu.memref_squeeze %dma_start3A_470 : memref<1x64x64xf32, #tpu.memory_space<vmem>> -> memref<64x64xf32, #tpu.memory_space<vmem>>
      %dma_start3A_472 = arith.constant 0 : i32
      %dma_start3A_473 = tpu.memref_slice %arg7[%select_n3A_262, %dma_start3A_467, %dma_start3A_472] : memref<2x8x64xi32, #tpu.memory_space<vmem>> -> memref<1x1x64xi32, #tpu.memory_space<vmem>>
      %dma_start3A_474 = tpu.memref_squeeze %dma_start3A_473 : memref<1x1x64xi32, #tpu.memory_space<vmem>> -> memref<64xi32, #tpu.memory_space<vmem>>
      %dma_start3A_475 = arith.constant 0 : i32
      %dma_start3A_476 = arith.constant 0 : i32
      %dma_start3A_477 = tpu.memref_slice %arg3[%dma_start3A_475, %dma_start3A_476] : memref<900000x64xf32, #tpu.memory_space<hbm>> -> memref<900000x64xf32, #tpu.memory_space<hbm>>
      tpu.enqueue_indirect_dma source(%dma_start3A_477 : memref<900000x64xf32, #tpu.memory_space<hbm>>) target(%dma_start3A_471 : memref<64x64xf32, #tpu.memory_space<vmem>>) offsets(%dma_start3A_474 : memref<64xi32, #tpu.memory_space<vmem>>) semaphore(%arg14 : memref<!tpu.dma_semaphore, #tpu.memory_space<semaphore_mem>>)
      %dma_start3A_478 = arith.constant 6 : i32
      %dma_start3A_479 = arith.constant 384 : i32
      %dma_start3A_480 = arith.constant 0 : i32
      %dma_start3A_481 = tpu.memref_slice %arg10[%select_n3A_262, %dma_start3A_479, %dma_start3A_480] : memref<2x512x64xf32, #tpu.memory_space<vmem>> -> memref<1x64x64xf32, #tpu.memory_space<vmem>>
      %dma_start3A_482 = tpu.memref_squeeze %dma_start3A_481 : memref<1x64x64xf32, #tpu.memory_space<vmem>> -> memref<64x64xf32, #tpu.memory_space<vmem>>
      %dma_start3A_483 = arith.constant 0 : i32
      %dma_start3A_484 = tpu.memref_slice %arg7[%select_n3A_262, %dma_start3A_478, %dma_start3A_483] : memref<2x8x64xi32, #tpu.memory_space<vmem>> -> memref<1x1x64xi32, #tpu.memory_space<vmem>>
      %dma_start3A_485 = tpu.memref_squeeze %dma_start3A_484 : memref<1x1x64xi32, #tpu.memory_space<vmem>> -> memref<64xi32, #tpu.memory_space<vmem>>
      %dma_start3A_486 = arith.constant 0 : i32
      %dma_start3A_487 = arith.constant 0 : i32
      %dma_start3A_488 = tpu.memref_slice %arg3[%dma_start3A_486, %dma_start3A_487] : memref<900000x64xf32, #tpu.memory_space<hbm>> -> memref<900000x64xf32, #tpu.memory_space<hbm>>
      tpu.enqueue_indirect_dma source(%dma_start3A_488 : memref<900000x64xf32, #tpu.memory_space<hbm>>) target(%dma_start3A_482 : memref<64x64xf32, #tpu.memory_space<vmem>>) offsets(%dma_start3A_485 : memref<64xi32, #tpu.memory_space<vmem>>) semaphore(%arg14 : memref<!tpu.dma_semaphore, #tpu.memory_space<semaphore_mem>>)
      %dma_start3A_489 = arith.constant 7 : i32
      %dma_start3A_490 = arith.constant 448 : i32
      %dma_start3A_491 = arith.constant 0 : i32
      %dma_start3A_492 = tpu.memref_slice %arg10[%select_n3A_262, %dma_start3A_490, %dma_start3A_491] : memref<2x512x64xf32, #tpu.memory_space<vmem>> -> memref<1x64x64xf32, #tpu.memory_space<vmem>>
      %dma_start3A_493 = tpu.memref_squeeze %dma_start3A_492 : memref<1x64x64xf32, #tpu.memory_space<vmem>> -> memref<64x64xf32, #tpu.memory_space<vmem>>
      %dma_start3A_494 = arith.constant 0 : i32
      %dma_start3A_495 = tpu.memref_slice %arg7[%select_n3A_262, %dma_start3A_489, %dma_start3A_494] : memref<2x8x64xi32, #tpu.memory_space<vmem>> -> memref<1x1x64xi32, #tpu.memory_space<vmem>>
      %dma_start3A_496 = tpu.memref_squeeze %dma_start3A_495 : memref<1x1x64xi32, #tpu.memory_space<vmem>> -> memref<64xi32, #tpu.memory_space<vmem>>
      %dma_start3A_497 = arith.constant 0 : i32
      %dma_start3A_498 = arith.constant 0 : i32
      %dma_start3A_499 = tpu.memref_slice %arg3[%dma_start3A_497, %dma_start3A_498] : memref<900000x64xf32, #tpu.memory_space<hbm>> -> memref<900000x64xf32, #tpu.memory_space<hbm>>
      tpu.enqueue_indirect_dma source(%dma_start3A_499 : memref<900000x64xf32, #tpu.memory_space<hbm>>) target(%dma_start3A_493 : memref<64x64xf32, #tpu.memory_space<vmem>>) offsets(%dma_start3A_496 : memref<64xi32, #tpu.memory_space<vmem>>) semaphore(%arg14 : memref<!tpu.dma_semaphore, #tpu.memory_space<semaphore_mem>>)
      %gt3A_500 = arith.constant 1 : i32
      %gt3A_501 = arith.cmpi sgt, %scan3A_246, %gt3A_500 : i32
      %convert_element_type3A_502 = arith.extui %gt3A_501 : i1 to i32
      %cond3A_503 = arith.constant 0 : i32
      %cond3A_504 = arith.cmpi ne, %convert_element_type3A_502, %cond3A_503 : i32
      scf.if %cond3A_504 {
        %add3A_505 = arith.constant 1 : i32
        %add3A_506 = arith.addi %scan3A_246, %add3A_505 : i32
        %jit3A_507 = arith.constant 3 : i32
        %eq3A_508 = arith.constant 0 : i32
        %eq3A_509 = arith.cmpi eq, %jit3A_507, %eq3A_508 : i32
        %jit3A_510 = arith.constant 1 : i32
        %select_n3A_511 = arith.select %eq3A_509, %jit3A_510, %jit3A_507 : i32
        %rem3A_512 = arith.remsi %add3A_506, %select_n3A_511 : i32
        %ne3A_513 = arith.constant 0 : i32
        %ne3A_514 = arith.cmpi ne, %rem3A_512, %ne3A_513 : i32
        %lt3A_515 = arith.constant 0 : i32
        %lt3A_516 = arith.cmpi slt, %rem3A_512, %lt3A_515 : i32
        %lt3A_517 = arith.constant 0 : i32
        %lt3A_518 = arith.cmpi slt, %select_n3A_511, %lt3A_517 : i32
        %ne3A_519 = arith.xori %lt3A_516, %lt3A_518 : i1
        %and3A_520 = arith.andi %ne3A_519, %ne3A_514 : i1
        %add3A_521 = arith.addi %rem3A_512, %select_n3A_511 : i32
        %select_n3A_522 = arith.select %and3A_520, %add3A_521, %rem3A_512 : i32
        %add3A_523 = arith.constant 64 : i32
        %add3A_524 = arith.addi %scan3A_247, %add3A_523 : i32
        %sub3A_525 = arith.constant 1 : i32
        %sub3A_526 = arith.subi %add3A_524, %sub3A_525 : i32
        %jit3A_527 = arith.constant 64 : i32
        %div3A_528 = arith.divsi %sub3A_526, %jit3A_527 : i32
        %sign3A_529 = arith.constant 0 : i32
        %sign3A_530 = arith.cmpi sgt, %sub3A_526, %sign3A_529 : i32
        %sign3A_531 = arith.extui %sign3A_530 : i1 to i32
        %sign3A_532 = arith.constant 0 : i32
        %sign3A_533 = arith.cmpi slt, %sub3A_526, %sign3A_532 : i32
        %sign3A_534 = arith.extui %sign3A_533 : i1 to i32
        %sign3A_535 = arith.subi %sign3A_531, %sign3A_534 : i32
        %sign3A_536 = arith.constant 0 : i32
        %sign3A_537 = arith.cmpi sgt, %jit3A_527, %sign3A_536 : i32
        %sign3A_538 = arith.extui %sign3A_537 : i1 to i32
        %sign3A_539 = arith.constant 0 : i32
        %sign3A_540 = arith.cmpi slt, %jit3A_527, %sign3A_539 : i32
        %sign3A_541 = arith.extui %sign3A_540 : i1 to i32
        %sign3A_542 = arith.subi %sign3A_538, %sign3A_541 : i32
        %ne3A_543 = arith.cmpi ne, %sign3A_535, %sign3A_542 : i32
        %rem3A_544 = arith.remsi %sub3A_526, %jit3A_527 : i32
        %ne3A_545 = arith.constant 0 : i32
        %ne3A_546 = arith.cmpi ne, %rem3A_544, %ne3A_545 : i32
        %and3A_547 = arith.andi %ne3A_543, %ne3A_546 : i1
        %sub3A_548 = arith.constant 1 : i32
        %sub3A_549 = arith.subi %div3A_528, %sub3A_548 : i32
        %select_n3A_550 = arith.select %and3A_547, %sub3A_549, %div3A_528 : i32
        %while3A_551 = arith.constant 0 : i32
        %while3A_552 = arith.constant 0 : i32
        %while3A_553 = arith.subi %select_n3A_550, %while3A_551 : i32
        %while3A_554 = arith.addi %while3A_551, %while3A_553 : i32
        %while3A_555 = arith.constant 1 : i32
        %while3A_556 = arith.divsi %while3A_553, %while3A_555 : i32
        %while3A_557 = arith.muli %while3A_556, %while3A_555 : i32
        %while3A_558 = arith.addi %while3A_551, %while3A_557 : i32
        %while3A_559 = arith.constant 1 : i32
        %while3A_560 = scf.for %while3A_563 = %while3A_551 to %while3A_558 step %while3A_559 iter_args(%while3A_564 = %while3A_552) -> (i32)  : i32 {
          %dma_start3A_565 = arith.constant 0 : i32
          %dma_start3A_566 = tpu.memref_slice %arg8[%select_n3A_522, %while3A_563, %dma_start3A_565] : memref<3x8x64xi32, #tpu.memory_space<vmem>> -> memref<1x1x64xi32, #tpu.memory_space<vmem>>
          %dma_start3A_567 = tpu.memref_squeeze %dma_start3A_566 : memref<1x1x64xi32, #tpu.memory_space<vmem>> -> memref<64xi32, #tpu.memory_space<vmem>>
          %dma_start3A_568 = arith.constant 0 : i32
          %dma_start3A_569 = arith.constant 0 : i32
          %dma_start3A_570 = tpu.memref_slice %arg4[%dma_start3A_568, %dma_start3A_569] : memref<100000x64xf32, #tpu.memory_space<hbm>> -> memref<100000x64xf32, #tpu.memory_space<hbm>>
          tpu.enqueue_indirect_dma source(%dma_start3A_570 : memref<100000x64xf32, #tpu.memory_space<hbm>>) target(%arg11 : memref<64x64xf32, #tpu.memory_space<vmem>>) offsets(%dma_start3A_567 : memref<64xi32, #tpu.memory_space<vmem>>) semaphore(%arg17 : memref<!tpu.dma_semaphore, #tpu.memory_space<semaphore_mem>>)
          %dma_wait3A_571 = arith.constant 0 : i32
          %dma_wait3A_572 = tpu.memref_slice %arg8[%select_n3A_522, %while3A_563, %dma_wait3A_571] : memref<3x8x64xi32, #tpu.memory_space<vmem>> -> memref<1x1x64xi32, #tpu.memory_space<vmem>>
          %dma_wait3A_573 = tpu.memref_squeeze %dma_wait3A_572 : memref<1x1x64xi32, #tpu.memory_space<vmem>> -> memref<64xi32, #tpu.memory_space<vmem>>
          %dma_wait3A_574 = arith.constant 0 : i32
          %dma_wait3A_575 = arith.constant 0 : i32
          %dma_wait3A_576 = tpu.memref_slice %arg4[%dma_wait3A_574, %dma_wait3A_575] : memref<100000x64xf32, #tpu.memory_space<hbm>> -> memref<100000x64xf32, #tpu.memory_space<hbm>>
          tpu.wait_indirect_dma semaphore(%arg17 : memref<!tpu.dma_semaphore, #tpu.memory_space<semaphore_mem>>) src(%dma_wait3A_576 : memref<100000x64xf32, #tpu.memory_space<hbm>>) dst(%arg11 : memref<64x64xf32, #tpu.memory_space<vmem>>)
          "tpu.region"() ({
            %run_scoped3A = tpu.sem_alloc : memref<!tpu.dma_semaphore, #tpu.memory_space<semaphore_mem>>
            %dma_start3A_578 = arith.constant 0 : i32
            %dma_start3A_579 = tpu.memref_slice %arg9[%select_n3A_522, %while3A_563, %dma_start3A_578] : memref<3x8x64xi32, #tpu.memory_space<vmem>> -> memref<1x1x64xi32, #tpu.memory_space<vmem>>
            %dma_start3A_580 = tpu.memref_squeeze %dma_start3A_579 : memref<1x1x64xi32, #tpu.memory_space<vmem>> -> memref<64xi32, #tpu.memory_space<vmem>>
            %dma_start3A_581 = arith.constant 0 : i32
            %dma_start3A_582 = arith.constant 0 : i32
            %dma_start3A_583 = tpu.memref_slice %arg5[%dma_start3A_581, %dma_start3A_582] : memref<819200x64xf32, #tpu.memory_space<hbm>> -> memref<819200x64xf32, #tpu.memory_space<hbm>>
            tpu.enqueue_indirect_dma source(%arg11 : memref<64x64xf32, #tpu.memory_space<vmem>>) target(%dma_start3A_583 : memref<819200x64xf32, #tpu.memory_space<hbm>>) offsets(%dma_start3A_580 : memref<64xi32, #tpu.memory_space<vmem>>) semaphore(%run_scoped3A : memref<!tpu.dma_semaphore, #tpu.memory_space<semaphore_mem>>)
            %dma_wait3A_584 = arith.constant 0 : i32
            %dma_wait3A_585 = tpu.memref_slice %arg9[%select_n3A_522, %while3A_563, %dma_wait3A_584] : memref<3x8x64xi32, #tpu.memory_space<vmem>> -> memref<1x1x64xi32, #tpu.memory_space<vmem>>
            %dma_wait3A_586 = tpu.memref_squeeze %dma_wait3A_585 : memref<1x1x64xi32, #tpu.memory_space<vmem>> -> memref<64xi32, #tpu.memory_space<vmem>>
            %dma_wait3A_587 = arith.constant 0 : i32
            %dma_wait3A_588 = arith.constant 0 : i32
            %dma_wait3A_589 = tpu.memref_slice %arg5[%dma_wait3A_587, %dma_wait3A_588] : memref<819200x64xf32, #tpu.memory_space<hbm>> -> memref<819200x64xf32, #tpu.memory_space<hbm>>
            tpu.wait_indirect_dma semaphore(%run_scoped3A : memref<!tpu.dma_semaphore, #tpu.memory_space<semaphore_mem>>) src(%arg11 : memref<64x64xf32, #tpu.memory_space<vmem>>) dst(%dma_wait3A_589 : memref<819200x64xf32, #tpu.memory_space<hbm>>)
            tpu.yield
          }) : () -> ()
          %while3A_577 = arith.constant 0 : i32
          scf.yield %while3A_577 : i32
        }
        %while3A_561 = arith.constant 1 : i32
        %while3A_562 = scf.for %while3A_563 = %while3A_558 to %while3A_554 step %while3A_561 iter_args(%while3A_564 = %while3A_560) -> (i32)  : i32 {
          %dma_start3A_565 = arith.constant 0 : i32
          %dma_start3A_566 = tpu.memref_slice %arg8[%select_n3A_522, %while3A_563, %dma_start3A_565] : memref<3x8x64xi32, #tpu.memory_space<vmem>> -> memref<1x1x64xi32, #tpu.memory_space<vmem>>
          %dma_start3A_567 = tpu.memref_squeeze %dma_start3A_566 : memref<1x1x64xi32, #tpu.memory_space<vmem>> -> memref<64xi32, #tpu.memory_space<vmem>>
          %dma_start3A_568 = arith.constant 0 : i32
          %dma_start3A_569 = arith.constant 0 : i32
          %dma_start3A_570 = tpu.memref_slice %arg4[%dma_start3A_568, %dma_start3A_569] : memref<100000x64xf32, #tpu.memory_space<hbm>> -> memref<100000x64xf32, #tpu.memory_space<hbm>>
          tpu.enqueue_indirect_dma source(%dma_start3A_570 : memref<100000x64xf32, #tpu.memory_space<hbm>>) target(%arg11 : memref<64x64xf32, #tpu.memory_space<vmem>>) offsets(%dma_start3A_567 : memref<64xi32, #tpu.memory_space<vmem>>) semaphore(%arg17 : memref<!tpu.dma_semaphore, #tpu.memory_space<semaphore_mem>>)
          %dma_wait3A_571 = arith.constant 0 : i32
          %dma_wait3A_572 = tpu.memref_slice %arg8[%select_n3A_522, %while3A_563, %dma_wait3A_571] : memref<3x8x64xi32, #tpu.memory_space<vmem>> -> memref<1x1x64xi32, #tpu.memory_space<vmem>>
          %dma_wait3A_573 = tpu.memref_squeeze %dma_wait3A_572 : memref<1x1x64xi32, #tpu.memory_space<vmem>> -> memref<64xi32, #tpu.memory_space<vmem>>
          %dma_wait3A_574 = arith.constant 0 : i32
          %dma_wait3A_575 = arith.constant 0 : i32
          %dma_wait3A_576 = tpu.memref_slice %arg4[%dma_wait3A_574, %dma_wait3A_575] : memref<100000x64xf32, #tpu.memory_space<hbm>> -> memref<100000x64xf32, #tpu.memory_space<hbm>>
          tpu.wait_indirect_dma semaphore(%arg17 : memref<!tpu.dma_semaphore, #tpu.memory_space<semaphore_mem>>) src(%dma_wait3A_576 : memref<100000x64xf32, #tpu.memory_space<hbm>>) dst(%arg11 : memref<64x64xf32, #tpu.memory_space<vmem>>)
          "tpu.region"() ({
            %run_scoped3A = tpu.sem_alloc : memref<!tpu.dma_semaphore, #tpu.memory_space<semaphore_mem>>
            %dma_start3A_578 = arith.constant 0 : i32
            %dma_start3A_579 = tpu.memref_slice %arg9[%select_n3A_522, %while3A_563, %dma_start3A_578] : memref<3x8x64xi32, #tpu.memory_space<vmem>> -> memref<1x1x64xi32, #tpu.memory_space<vmem>>
            %dma_start3A_580 = tpu.memref_squeeze %dma_start3A_579 : memref<1x1x64xi32, #tpu.memory_space<vmem>> -> memref<64xi32, #tpu.memory_space<vmem>>
            %dma_start3A_581 = arith.constant 0 : i32
            %dma_start3A_582 = arith.constant 0 : i32
            %dma_start3A_583 = tpu.memref_slice %arg5[%dma_start3A_581, %dma_start3A_582] : memref<819200x64xf32, #tpu.memory_space<hbm>> -> memref<819200x64xf32, #tpu.memory_space<hbm>>
            tpu.enqueue_indirect_dma source(%arg11 : memref<64x64xf32, #tpu.memory_space<vmem>>) target(%dma_start3A_583 : memref<819200x64xf32, #tpu.memory_space<hbm>>) offsets(%dma_start3A_580 : memref<64xi32, #tpu.memory_space<vmem>>) semaphore(%run_scoped3A : memref<!tpu.dma_semaphore, #tpu.memory_space<semaphore_mem>>)
            %dma_wait3A_584 = arith.constant 0 : i32
            %dma_wait3A_585 = tpu.memref_slice %arg9[%select_n3A_522, %while3A_563, %dma_wait3A_584] : memref<3x8x64xi32, #tpu.memory_space<vmem>> -> memref<1x1x64xi32, #tpu.memory_space<vmem>>
            %dma_wait3A_586 = tpu.memref_squeeze %dma_wait3A_585 : memref<1x1x64xi32, #tpu.memory_space<vmem>> -> memref<64xi32, #tpu.memory_space<vmem>>
            %dma_wait3A_587 = arith.constant 0 : i32
            %dma_wait3A_588 = arith.constant 0 : i32
            %dma_wait3A_589 = tpu.memref_slice %arg5[%dma_wait3A_587, %dma_wait3A_588] : memref<819200x64xf32, #tpu.memory_space<hbm>> -> memref<819200x64xf32, #tpu.memory_space<hbm>>
            tpu.wait_indirect_dma semaphore(%run_scoped3A : memref<!tpu.dma_semaphore, #tpu.memory_space<semaphore_mem>>) src(%arg11 : memref<64x64xf32, #tpu.memory_space<vmem>>) dst(%dma_wait3A_589 : memref<819200x64xf32, #tpu.memory_space<hbm>>)
            tpu.yield
          }) : () -> ()
          %while3A_577 = arith.constant 0 : i32
          scf.yield %while3A_577 : i32
        }
      } else {
      }
      scf.yield %scan3A_248, %scan3A_300 : i32, i32
    }
    %scan3A_17 = arith.constant 50 : i32
    %add3A_18 = arith.constant 25088 : i32
    %add3A_19 = arith.addi %mul3A_2, %add3A_18 : i32
    %dma_wait3A = arith.constant 1 : i32
    %dma_wait3A_20 = arith.constant 0 : i32
    %dma_wait3A_21 = arith.constant 1 : i32
    %dma_wait3A_22 = arith.constant 0 : i32
    %dma_wait3A_23 = arith.constant 0 : i32
    %dma_wait3A_24 = tpu.memref_slice %arg10[%dma_wait3A_21, %dma_wait3A_22, %dma_wait3A_23] : memref<2x512x64xf32, #tpu.memory_space<vmem>> -> memref<1x64x64xf32, #tpu.memory_space<vmem>>
    %dma_wait3A_25 = tpu.memref_squeeze %dma_wait3A_24 : memref<1x64x64xf32, #tpu.memory_space<vmem>> -> memref<64x64xf32, #tpu.memory_space<vmem>>
    %dma_wait3A_26 = arith.constant 0 : i32
    %dma_wait3A_27 = tpu.memref_slice %arg7[%dma_wait3A, %dma_wait3A_20, %dma_wait3A_26] : memref<2x8x64xi32, #tpu.memory_space<vmem>> -> memref<1x1x64xi32, #tpu.memory_space<vmem>>
    %dma_wait3A_28 = tpu.memref_squeeze %dma_wait3A_27 : memref<1x1x64xi32, #tpu.memory_space<vmem>> -> memref<64xi32, #tpu.memory_space<vmem>>
    %dma_wait3A_29 = arith.constant 0 : i32
    %dma_wait3A_30 = arith.constant 0 : i32
    %dma_wait3A_31 = tpu.memref_slice %arg3[%dma_wait3A_29, %dma_wait3A_30] : memref<900000x64xf32, #tpu.memory_space<hbm>> -> memref<900000x64xf32, #tpu.memory_space<hbm>>
    tpu.wait_indirect_dma semaphore(%arg14 : memref<!tpu.dma_semaphore, #tpu.memory_space<semaphore_mem>>) src(%dma_wait3A_31 : memref<900000x64xf32, #tpu.memory_space<hbm>>) dst(%dma_wait3A_25 : memref<64x64xf32, #tpu.memory_space<vmem>>)
    %dma_wait3A_32 = arith.constant 1 : i32
    %dma_wait3A_33 = arith.constant 1 : i32
    %dma_wait3A_34 = arith.constant 1 : i32
    %dma_wait3A_35 = arith.constant 64 : i32
    %dma_wait3A_36 = arith.constant 0 : i32
    %dma_wait3A_37 = tpu.memref_slice %arg10[%dma_wait3A_34, %dma_wait3A_35, %dma_wait3A_36] : memref<2x512x64xf32, #tpu.memory_space<vmem>> -> memref<1x64x64xf32, #tpu.memory_space<vmem>>
    %dma_wait3A_38 = tpu.memref_squeeze %dma_wait3A_37 : memref<1x64x64xf32, #tpu.memory_space<vmem>> -> memref<64x64xf32, #tpu.memory_space<vmem>>
    %dma_wait3A_39 = arith.constant 0 : i32
    %dma_wait3A_40 = tpu.memref_slice %arg7[%dma_wait3A_32, %dma_wait3A_33, %dma_wait3A_39] : memref<2x8x64xi32, #tpu.memory_space<vmem>> -> memref<1x1x64xi32, #tpu.memory_space<vmem>>
    %dma_wait3A_41 = tpu.memref_squeeze %dma_wait3A_40 : memref<1x1x64xi32, #tpu.memory_space<vmem>> -> memref<64xi32, #tpu.memory_space<vmem>>
    %dma_wait3A_42 = arith.constant 0 : i32
    %dma_wait3A_43 = arith.constant 0 : i32
    %dma_wait3A_44 = tpu.memref_slice %arg3[%dma_wait3A_42, %dma_wait3A_43] : memref<900000x64xf32, #tpu.memory_space<hbm>> -> memref<900000x64xf32, #tpu.memory_space<hbm>>
    tpu.wait_indirect_dma semaphore(%arg14 : memref<!tpu.dma_semaphore, #tpu.memory_space<semaphore_mem>>) src(%dma_wait3A_44 : memref<900000x64xf32, #tpu.memory_space<hbm>>) dst(%dma_wait3A_38 : memref<64x64xf32, #tpu.memory_space<vmem>>)
    %dma_wait3A_45 = arith.constant 1 : i32
    %dma_wait3A_46 = arith.constant 2 : i32
    %dma_wait3A_47 = arith.constant 1 : i32
    %dma_wait3A_48 = arith.constant 128 : i32
    %dma_wait3A_49 = arith.constant 0 : i32
    %dma_wait3A_50 = tpu.memref_slice %arg10[%dma_wait3A_47, %dma_wait3A_48, %dma_wait3A_49] : memref<2x512x64xf32, #tpu.memory_space<vmem>> -> memref<1x64x64xf32, #tpu.memory_space<vmem>>
    %dma_wait3A_51 = tpu.memref_squeeze %dma_wait3A_50 : memref<1x64x64xf32, #tpu.memory_space<vmem>> -> memref<64x64xf32, #tpu.memory_space<vmem>>
    %dma_wait3A_52 = arith.constant 0 : i32
    %dma_wait3A_53 = tpu.memref_slice %arg7[%dma_wait3A_45, %dma_wait3A_46, %dma_wait3A_52] : memref<2x8x64xi32, #tpu.memory_space<vmem>> -> memref<1x1x64xi32, #tpu.memory_space<vmem>>
    %dma_wait3A_54 = tpu.memref_squeeze %dma_wait3A_53 : memref<1x1x64xi32, #tpu.memory_space<vmem>> -> memref<64xi32, #tpu.memory_space<vmem>>
    %dma_wait3A_55 = arith.constant 0 : i32
    %dma_wait3A_56 = arith.constant 0 : i32
    %dma_wait3A_57 = tpu.memref_slice %arg3[%dma_wait3A_55, %dma_wait3A_56] : memref<900000x64xf32, #tpu.memory_space<hbm>> -> memref<900000x64xf32, #tpu.memory_space<hbm>>
    tpu.wait_indirect_dma semaphore(%arg14 : memref<!tpu.dma_semaphore, #tpu.memory_space<semaphore_mem>>) src(%dma_wait3A_57 : memref<900000x64xf32, #tpu.memory_space<hbm>>) dst(%dma_wait3A_51 : memref<64x64xf32, #tpu.memory_space<vmem>>)
    %dma_wait3A_58 = arith.constant 1 : i32
    %dma_wait3A_59 = arith.constant 3 : i32
    %dma_wait3A_60 = arith.constant 1 : i32
    %dma_wait3A_61 = arith.constant 192 : i32
    %dma_wait3A_62 = arith.constant 0 : i32
    %dma_wait3A_63 = tpu.memref_slice %arg10[%dma_wait3A_60, %dma_wait3A_61, %dma_wait3A_62] : memref<2x512x64xf32, #tpu.memory_space<vmem>> -> memref<1x64x64xf32, #tpu.memory_space<vmem>>
    %dma_wait3A_64 = tpu.memref_squeeze %dma_wait3A_63 : memref<1x64x64xf32, #tpu.memory_space<vmem>> -> memref<64x64xf32, #tpu.memory_space<vmem>>
    %dma_wait3A_65 = arith.constant 0 : i32
    %dma_wait3A_66 = tpu.memref_slice %arg7[%dma_wait3A_58, %dma_wait3A_59, %dma_wait3A_65] : memref<2x8x64xi32, #tpu.memory_space<vmem>> -> memref<1x1x64xi32, #tpu.memory_space<vmem>>
    %dma_wait3A_67 = tpu.memref_squeeze %dma_wait3A_66 : memref<1x1x64xi32, #tpu.memory_space<vmem>> -> memref<64xi32, #tpu.memory_space<vmem>>
    %dma_wait3A_68 = arith.constant 0 : i32
    %dma_wait3A_69 = arith.constant 0 : i32
    %dma_wait3A_70 = tpu.memref_slice %arg3[%dma_wait3A_68, %dma_wait3A_69] : memref<900000x64xf32, #tpu.memory_space<hbm>> -> memref<900000x64xf32, #tpu.memory_space<hbm>>
    tpu.wait_indirect_dma semaphore(%arg14 : memref<!tpu.dma_semaphore, #tpu.memory_space<semaphore_mem>>) src(%dma_wait3A_70 : memref<900000x64xf32, #tpu.memory_space<hbm>>) dst(%dma_wait3A_64 : memref<64x64xf32, #tpu.memory_space<vmem>>)
    %dma_wait3A_71 = arith.constant 1 : i32
    %dma_wait3A_72 = arith.constant 4 : i32
    %dma_wait3A_73 = arith.constant 1 : i32
    %dma_wait3A_74 = arith.constant 256 : i32
    %dma_wait3A_75 = arith.constant 0 : i32
    %dma_wait3A_76 = tpu.memref_slice %arg10[%dma_wait3A_73, %dma_wait3A_74, %dma_wait3A_75] : memref<2x512x64xf32, #tpu.memory_space<vmem>> -> memref<1x64x64xf32, #tpu.memory_space<vmem>>
    %dma_wait3A_77 = tpu.memref_squeeze %dma_wait3A_76 : memref<1x64x64xf32, #tpu.memory_space<vmem>> -> memref<64x64xf32, #tpu.memory_space<vmem>>
    %dma_wait3A_78 = arith.constant 0 : i32
    %dma_wait3A_79 = tpu.memref_slice %arg7[%dma_wait3A_71, %dma_wait3A_72, %dma_wait3A_78] : memref<2x8x64xi32, #tpu.memory_space<vmem>> -> memref<1x1x64xi32, #tpu.memory_space<vmem>>
    %dma_wait3A_80 = tpu.memref_squeeze %dma_wait3A_79 : memref<1x1x64xi32, #tpu.memory_space<vmem>> -> memref<64xi32, #tpu.memory_space<vmem>>
    %dma_wait3A_81 = arith.constant 0 : i32
    %dma_wait3A_82 = arith.constant 0 : i32
    %dma_wait3A_83 = tpu.memref_slice %arg3[%dma_wait3A_81, %dma_wait3A_82] : memref<900000x64xf32, #tpu.memory_space<hbm>> -> memref<900000x64xf32, #tpu.memory_space<hbm>>
    tpu.wait_indirect_dma semaphore(%arg14 : memref<!tpu.dma_semaphore, #tpu.memory_space<semaphore_mem>>) src(%dma_wait3A_83 : memref<900000x64xf32, #tpu.memory_space<hbm>>) dst(%dma_wait3A_77 : memref<64x64xf32, #tpu.memory_space<vmem>>)
    %dma_wait3A_84 = arith.constant 1 : i32
    %dma_wait3A_85 = arith.constant 5 : i32
    %dma_wait3A_86 = arith.constant 1 : i32
    %dma_wait3A_87 = arith.constant 320 : i32
    %dma_wait3A_88 = arith.constant 0 : i32
    %dma_wait3A_89 = tpu.memref_slice %arg10[%dma_wait3A_86, %dma_wait3A_87, %dma_wait3A_88] : memref<2x512x64xf32, #tpu.memory_space<vmem>> -> memref<1x64x64xf32, #tpu.memory_space<vmem>>
    %dma_wait3A_90 = tpu.memref_squeeze %dma_wait3A_89 : memref<1x64x64xf32, #tpu.memory_space<vmem>> -> memref<64x64xf32, #tpu.memory_space<vmem>>
    %dma_wait3A_91 = arith.constant 0 : i32
    %dma_wait3A_92 = tpu.memref_slice %arg7[%dma_wait3A_84, %dma_wait3A_85, %dma_wait3A_91] : memref<2x8x64xi32, #tpu.memory_space<vmem>> -> memref<1x1x64xi32, #tpu.memory_space<vmem>>
    %dma_wait3A_93 = tpu.memref_squeeze %dma_wait3A_92 : memref<1x1x64xi32, #tpu.memory_space<vmem>> -> memref<64xi32, #tpu.memory_space<vmem>>
    %dma_wait3A_94 = arith.constant 0 : i32
    %dma_wait3A_95 = arith.constant 0 : i32
    %dma_wait3A_96 = tpu.memref_slice %arg3[%dma_wait3A_94, %dma_wait3A_95] : memref<900000x64xf32, #tpu.memory_space<hbm>> -> memref<900000x64xf32, #tpu.memory_space<hbm>>
    tpu.wait_indirect_dma semaphore(%arg14 : memref<!tpu.dma_semaphore, #tpu.memory_space<semaphore_mem>>) src(%dma_wait3A_96 : memref<900000x64xf32, #tpu.memory_space<hbm>>) dst(%dma_wait3A_90 : memref<64x64xf32, #tpu.memory_space<vmem>>)
    %dma_wait3A_97 = arith.constant 1 : i32
    %dma_wait3A_98 = arith.constant 6 : i32
    %dma_wait3A_99 = arith.constant 1 : i32
    %dma_wait3A_100 = arith.constant 384 : i32
    %dma_wait3A_101 = arith.constant 0 : i32
    %dma_wait3A_102 = tpu.memref_slice %arg10[%dma_wait3A_99, %dma_wait3A_100, %dma_wait3A_101] : memref<2x512x64xf32, #tpu.memory_space<vmem>> -> memref<1x64x64xf32, #tpu.memory_space<vmem>>
    %dma_wait3A_103 = tpu.memref_squeeze %dma_wait3A_102 : memref<1x64x64xf32, #tpu.memory_space<vmem>> -> memref<64x64xf32, #tpu.memory_space<vmem>>
    %dma_wait3A_104 = arith.constant 0 : i32
    %dma_wait3A_105 = tpu.memref_slice %arg7[%dma_wait3A_97, %dma_wait3A_98, %dma_wait3A_104] : memref<2x8x64xi32, #tpu.memory_space<vmem>> -> memref<1x1x64xi32, #tpu.memory_space<vmem>>
    %dma_wait3A_106 = tpu.memref_squeeze %dma_wait3A_105 : memref<1x1x64xi32, #tpu.memory_space<vmem>> -> memref<64xi32, #tpu.memory_space<vmem>>
    %dma_wait3A_107 = arith.constant 0 : i32
    %dma_wait3A_108 = arith.constant 0 : i32
    %dma_wait3A_109 = tpu.memref_slice %arg3[%dma_wait3A_107, %dma_wait3A_108] : memref<900000x64xf32, #tpu.memory_space<hbm>> -> memref<900000x64xf32, #tpu.memory_space<hbm>>
    tpu.wait_indirect_dma semaphore(%arg14 : memref<!tpu.dma_semaphore, #tpu.memory_space<semaphore_mem>>) src(%dma_wait3A_109 : memref<900000x64xf32, #tpu.memory_space<hbm>>) dst(%dma_wait3A_103 : memref<64x64xf32, #tpu.memory_space<vmem>>)
    %dma_wait3A_110 = arith.constant 1 : i32
    %dma_wait3A_111 = arith.constant 7 : i32
    %dma_wait3A_112 = arith.constant 1 : i32
    %dma_wait3A_113 = arith.constant 448 : i32
    %dma_wait3A_114 = arith.constant 0 : i32
    %dma_wait3A_115 = tpu.memref_slice %arg10[%dma_wait3A_112, %dma_wait3A_113, %dma_wait3A_114] : memref<2x512x64xf32, #tpu.memory_space<vmem>> -> memref<1x64x64xf32, #tpu.memory_space<vmem>>
    %dma_wait3A_116 = tpu.memref_squeeze %dma_wait3A_115 : memref<1x64x64xf32, #tpu.memory_space<vmem>> -> memref<64x64xf32, #tpu.memory_space<vmem>>
    %dma_wait3A_117 = arith.constant 0 : i32
    %dma_wait3A_118 = tpu.memref_slice %arg7[%dma_wait3A_110, %dma_wait3A_111, %dma_wait3A_117] : memref<2x8x64xi32, #tpu.memory_space<vmem>> -> memref<1x1x64xi32, #tpu.memory_space<vmem>>
    %dma_wait3A_119 = tpu.memref_squeeze %dma_wait3A_118 : memref<1x1x64xi32, #tpu.memory_space<vmem>> -> memref<64xi32, #tpu.memory_space<vmem>>
    %dma_wait3A_120 = arith.constant 0 : i32
    %dma_wait3A_121 = arith.constant 0 : i32
    %dma_wait3A_122 = tpu.memref_slice %arg3[%dma_wait3A_120, %dma_wait3A_121] : memref<900000x64xf32, #tpu.memory_space<hbm>> -> memref<900000x64xf32, #tpu.memory_space<hbm>>
    tpu.wait_indirect_dma semaphore(%arg14 : memref<!tpu.dma_semaphore, #tpu.memory_space<semaphore_mem>>) src(%dma_wait3A_122 : memref<900000x64xf32, #tpu.memory_space<hbm>>) dst(%dma_wait3A_116 : memref<64x64xf32, #tpu.memory_space<vmem>>)
    %dma_wait3A_123 = arith.constant 0 : i32
    %dma_wait3A_124 = tpu.memref_slice %arg5[%add3A_19, %dma_wait3A_123] : memref<819200x64xf32, #tpu.memory_space<hbm>> -> memref<512x64xf32, #tpu.memory_space<hbm>>
    %dma_wait3A_125 = arith.constant 0 : i32
    %dma_wait3A_126 = arith.constant 0 : i32
    %dma_wait3A_127 = tpu.memref_slice %arg12[%arg1, %dma_wait3A_125, %dma_wait3A_126] : memref<16x512x64xf32, #tpu.memory_space<vmem_shared>> -> memref<1x512x64xf32, #tpu.memory_space<vmem_shared>>
    %dma_wait3A_128 = tpu.memref_squeeze %dma_wait3A_127 : memref<1x512x64xf32, #tpu.memory_space<vmem_shared>> -> memref<512x64xf32, #tpu.memory_space<vmem_shared>>
    tpu.wait_dma2 semaphore(%arg16 : memref<!tpu.dma_semaphore, #tpu.memory_space<semaphore_mem>>) src(%dma_wait3A_128 : memref<512x64xf32, #tpu.memory_space<vmem_shared>>) dst(%dma_wait3A_124 : memref<512x64xf32, #tpu.memory_space<hbm>>)
    %dma_start3A_129 = arith.constant 1 : i32
    %dma_start3A_130 = arith.constant 0 : i32
    %dma_start3A_131 = arith.constant 0 : i32
    %dma_start3A_132 = tpu.memref_slice %arg10[%dma_start3A_129, %dma_start3A_130, %dma_start3A_131] : memref<2x512x64xf32, #tpu.memory_space<vmem>> -> memref<1x512x64xf32, #tpu.memory_space<vmem>>
    %dma_start3A_133 = tpu.memref_squeeze %dma_start3A_132 : memref<1x512x64xf32, #tpu.memory_space<vmem>> -> memref<512x64xf32, #tpu.memory_space<vmem>>
    %dma_start3A_134 = arith.constant 0 : i32
    %dma_start3A_135 = arith.constant 0 : i32
    %dma_start3A_136 = tpu.memref_slice %arg12[%arg1, %dma_start3A_134, %dma_start3A_135] : memref<16x512x64xf32, #tpu.memory_space<vmem_shared>> -> memref<1x512x64xf32, #tpu.memory_space<vmem_shared>>
    %dma_start3A_137 = tpu.memref_squeeze %dma_start3A_136 : memref<1x512x64xf32, #tpu.memory_space<vmem_shared>> -> memref<512x64xf32, #tpu.memory_space<vmem_shared>>
    %dma_start3A_138 = arith.constant 0 : i32
    %dma_start3A_139 = arith.constant 0 : i32
    %dma_start3A_140 = tpu.memref_slice %arg12[%arg1, %dma_start3A_138, %dma_start3A_139] : memref<16x512x64xf32, #tpu.memory_space<vmem_shared>> -> memref<1x512x64xf32, #tpu.memory_space<vmem_shared>>
    %dma_start3A_141 = tpu.memref_squeeze %dma_start3A_140 : memref<1x512x64xf32, #tpu.memory_space<vmem_shared>> -> memref<512x64xf32, #tpu.memory_space<vmem_shared>>
    %dma_start3A_142 = arith.constant 0 : i32
    %dma_start3A_143 = arith.constant 0 : i32
    %dma_start3A_144 = tpu.memref_slice %arg10[%dma_start3A_129, %dma_start3A_142, %dma_start3A_143] : memref<2x512x64xf32, #tpu.memory_space<vmem>> -> memref<1x512x64xf32, #tpu.memory_space<vmem>>
    %dma_start3A_145 = tpu.memref_squeeze %dma_start3A_144 : memref<1x512x64xf32, #tpu.memory_space<vmem>> -> memref<512x64xf32, #tpu.memory_space<vmem>>
    tpu.enqueue_dma source(%dma_start3A_145 : memref<512x64xf32, #tpu.memory_space<vmem>>) target(%dma_start3A_141 : memref<512x64xf32, #tpu.memory_space<vmem_shared>>) target_semaphore(%arg15 : memref<!tpu.dma_semaphore, #tpu.memory_space<semaphore_mem>>)
    %dma_wait3A_146 = arith.constant 1 : i32
    %dma_wait3A_147 = arith.constant 0 : i32
    %dma_wait3A_148 = arith.constant 0 : i32
    %dma_wait3A_149 = tpu.memref_slice %arg10[%dma_wait3A_146, %dma_wait3A_147, %dma_wait3A_148] : memref<2x512x64xf32, #tpu.memory_space<vmem>> -> memref<1x512x64xf32, #tpu.memory_space<vmem>>
    %dma_wait3A_150 = tpu.memref_squeeze %dma_wait3A_149 : memref<1x512x64xf32, #tpu.memory_space<vmem>> -> memref<512x64xf32, #tpu.memory_space<vmem>>
    %dma_wait3A_151 = arith.constant 0 : i32
    %dma_wait3A_152 = arith.constant 0 : i32
    %dma_wait3A_153 = tpu.memref_slice %arg12[%arg1, %dma_wait3A_151, %dma_wait3A_152] : memref<16x512x64xf32, #tpu.memory_space<vmem_shared>> -> memref<1x512x64xf32, #tpu.memory_space<vmem_shared>>
    %dma_wait3A_154 = tpu.memref_squeeze %dma_wait3A_153 : memref<1x512x64xf32, #tpu.memory_space<vmem_shared>> -> memref<512x64xf32, #tpu.memory_space<vmem_shared>>
    %dma_wait3A_155 = arith.constant 0 : i32
    %dma_wait3A_156 = arith.constant 0 : i32
    %dma_wait3A_157 = tpu.memref_slice %arg12[%arg1, %dma_wait3A_155, %dma_wait3A_156] : memref<16x512x64xf32, #tpu.memory_space<vmem_shared>> -> memref<1x512x64xf32, #tpu.memory_space<vmem_shared>>
    %dma_wait3A_158 = tpu.memref_squeeze %dma_wait3A_157 : memref<1x512x64xf32, #tpu.memory_space<vmem_shared>> -> memref<512x64xf32, #tpu.memory_space<vmem_shared>>
    %dma_wait3A_159 = arith.constant 0 : i32
    %dma_wait3A_160 = arith.constant 0 : i32
    %dma_wait3A_161 = tpu.memref_slice %arg10[%dma_wait3A_146, %dma_wait3A_159, %dma_wait3A_160] : memref<2x512x64xf32, #tpu.memory_space<vmem>> -> memref<1x512x64xf32, #tpu.memory_space<vmem>>
    %dma_wait3A_162 = tpu.memref_squeeze %dma_wait3A_161 : memref<1x512x64xf32, #tpu.memory_space<vmem>> -> memref<512x64xf32, #tpu.memory_space<vmem>>
    tpu.wait_dma2 semaphore(%arg15 : memref<!tpu.dma_semaphore, #tpu.memory_space<semaphore_mem>>) src(%dma_wait3A_162 : memref<512x64xf32, #tpu.memory_space<vmem>>) dst(%dma_wait3A_158 : memref<512x64xf32, #tpu.memory_space<vmem_shared>>)
    %dma_start3A_163 = arith.constant 0 : i32
    %dma_start3A_164 = tpu.memref_slice %arg5[%add3A_19, %dma_start3A_163] : memref<819200x64xf32, #tpu.memory_space<hbm>> -> memref<512x64xf32, #tpu.memory_space<hbm>>
    %dma_start3A_165 = arith.constant 0 : i32
    %dma_start3A_166 = arith.constant 0 : i32
    %dma_start3A_167 = tpu.memref_slice %arg12[%arg1, %dma_start3A_165, %dma_start3A_166] : memref<16x512x64xf32, #tpu.memory_space<vmem_shared>> -> memref<1x512x64xf32, #tpu.memory_space<vmem_shared>>
    %dma_start3A_168 = tpu.memref_squeeze %dma_start3A_167 : memref<1x512x64xf32, #tpu.memory_space<vmem_shared>> -> memref<512x64xf32, #tpu.memory_space<vmem_shared>>
    tpu.enqueue_dma source(%dma_start3A_168 : memref<512x64xf32, #tpu.memory_space<vmem_shared>>) target(%dma_start3A_164 : memref<512x64xf32, #tpu.memory_space<hbm>>) target_semaphore(%arg16 : memref<!tpu.dma_semaphore, #tpu.memory_space<semaphore_mem>>)
    %add3A_169 = arith.constant 64 : i32
    %add3A_170 = arith.addi %scan3A_16#0, %add3A_169 : i32
    %sub3A = arith.constant 1 : i32
    %sub3A_171 = arith.subi %add3A_170, %sub3A : i32
    %jit3A = arith.constant 64 : i32
    %div3A = arith.divsi %sub3A_171, %jit3A : i32
    %sign3A = arith.constant 0 : i32
    %sign3A_172 = arith.cmpi sgt, %sub3A_171, %sign3A : i32
    %sign3A_173 = arith.extui %sign3A_172 : i1 to i32
    %sign3A_174 = arith.constant 0 : i32
    %sign3A_175 = arith.cmpi slt, %sub3A_171, %sign3A_174 : i32
    %sign3A_176 = arith.extui %sign3A_175 : i1 to i32
    %sign3A_177 = arith.subi %sign3A_173, %sign3A_176 : i32
    %sign3A_178 = arith.constant 0 : i32
    %sign3A_179 = arith.cmpi sgt, %jit3A, %sign3A_178 : i32
    %sign3A_180 = arith.extui %sign3A_179 : i1 to i32
    %sign3A_181 = arith.constant 0 : i32
    %sign3A_182 = arith.cmpi slt, %jit3A, %sign3A_181 : i32
    %sign3A_183 = arith.extui %sign3A_182 : i1 to i32
    %sign3A_184 = arith.subi %sign3A_180, %sign3A_183 : i32
    %ne3A = arith.cmpi ne, %sign3A_177, %sign3A_184 : i32
    %rem3A = arith.remsi %sub3A_171, %jit3A : i32
    %ne3A_185 = arith.constant 0 : i32
    %ne3A_186 = arith.cmpi ne, %rem3A, %ne3A_185 : i32
    %and3A = arith.andi %ne3A, %ne3A_186 : i1
    %sub3A_187 = arith.constant 1 : i32
    %sub3A_188 = arith.subi %div3A, %sub3A_187 : i32
    %select_n3A = arith.select %and3A, %sub3A_188, %div3A : i32
    %while3A = arith.constant 0 : i32
    %while3A_189 = arith.constant 0 : i32
    %while3A_190 = arith.subi %select_n3A, %while3A : i32
    %while3A_191 = arith.addi %while3A, %while3A_190 : i32
    %while3A_192 = arith.constant 1 : i32
    %while3A_193 = arith.divsi %while3A_190, %while3A_192 : i32
    %while3A_194 = arith.muli %while3A_193, %while3A_192 : i32
    %while3A_195 = arith.addi %while3A, %while3A_194 : i32
    %while3A_196 = arith.constant 1 : i32
    %while3A_197 = scf.for %while3A_246 = %while3A to %while3A_195 step %while3A_196 iter_args(%while3A_247 = %while3A_189) -> (i32)  : i32 {
      %dma_start3A_248 = arith.constant 0 : i32
      %dma_start3A_249 = arith.constant 0 : i32
      %dma_start3A_250 = tpu.memref_slice %arg8[%dma_start3A_248, %while3A_246, %dma_start3A_249] : memref<3x8x64xi32, #tpu.memory_space<vmem>> -> memref<1x1x64xi32, #tpu.memory_space<vmem>>
      %dma_start3A_251 = tpu.memref_squeeze %dma_start3A_250 : memref<1x1x64xi32, #tpu.memory_space<vmem>> -> memref<64xi32, #tpu.memory_space<vmem>>
      %dma_start3A_252 = arith.constant 0 : i32
      %dma_start3A_253 = arith.constant 0 : i32
      %dma_start3A_254 = tpu.memref_slice %arg4[%dma_start3A_252, %dma_start3A_253] : memref<100000x64xf32, #tpu.memory_space<hbm>> -> memref<100000x64xf32, #tpu.memory_space<hbm>>
      tpu.enqueue_indirect_dma source(%dma_start3A_254 : memref<100000x64xf32, #tpu.memory_space<hbm>>) target(%arg11 : memref<64x64xf32, #tpu.memory_space<vmem>>) offsets(%dma_start3A_251 : memref<64xi32, #tpu.memory_space<vmem>>) semaphore(%arg17 : memref<!tpu.dma_semaphore, #tpu.memory_space<semaphore_mem>>)
      %dma_wait3A_255 = arith.constant 0 : i32
      %dma_wait3A_256 = arith.constant 0 : i32
      %dma_wait3A_257 = tpu.memref_slice %arg8[%dma_wait3A_255, %while3A_246, %dma_wait3A_256] : memref<3x8x64xi32, #tpu.memory_space<vmem>> -> memref<1x1x64xi32, #tpu.memory_space<vmem>>
      %dma_wait3A_258 = tpu.memref_squeeze %dma_wait3A_257 : memref<1x1x64xi32, #tpu.memory_space<vmem>> -> memref<64xi32, #tpu.memory_space<vmem>>
      %dma_wait3A_259 = arith.constant 0 : i32
      %dma_wait3A_260 = arith.constant 0 : i32
      %dma_wait3A_261 = tpu.memref_slice %arg4[%dma_wait3A_259, %dma_wait3A_260] : memref<100000x64xf32, #tpu.memory_space<hbm>> -> memref<100000x64xf32, #tpu.memory_space<hbm>>
      tpu.wait_indirect_dma semaphore(%arg17 : memref<!tpu.dma_semaphore, #tpu.memory_space<semaphore_mem>>) src(%dma_wait3A_261 : memref<100000x64xf32, #tpu.memory_space<hbm>>) dst(%arg11 : memref<64x64xf32, #tpu.memory_space<vmem>>)
      %run_scoped3A = arith.constant 0 : i32
      "tpu.region"() ({
        %run_scoped3A_263 = tpu.sem_alloc : memref<!tpu.dma_semaphore, #tpu.memory_space<semaphore_mem>>
        %dma_start3A_264 = arith.constant 0 : i32
        %dma_start3A_265 = tpu.memref_slice %arg9[%run_scoped3A, %while3A_246, %dma_start3A_264] : memref<3x8x64xi32, #tpu.memory_space<vmem>> -> memref<1x1x64xi32, #tpu.memory_space<vmem>>
        %dma_start3A_266 = tpu.memref_squeeze %dma_start3A_265 : memref<1x1x64xi32, #tpu.memory_space<vmem>> -> memref<64xi32, #tpu.memory_space<vmem>>
        %dma_start3A_267 = arith.constant 0 : i32
        %dma_start3A_268 = arith.constant 0 : i32
        %dma_start3A_269 = tpu.memref_slice %arg5[%dma_start3A_267, %dma_start3A_268] : memref<819200x64xf32, #tpu.memory_space<hbm>> -> memref<819200x64xf32, #tpu.memory_space<hbm>>
        tpu.enqueue_indirect_dma source(%arg11 : memref<64x64xf32, #tpu.memory_space<vmem>>) target(%dma_start3A_269 : memref<819200x64xf32, #tpu.memory_space<hbm>>) offsets(%dma_start3A_266 : memref<64xi32, #tpu.memory_space<vmem>>) semaphore(%run_scoped3A_263 : memref<!tpu.dma_semaphore, #tpu.memory_space<semaphore_mem>>)
        %dma_wait3A_270 = arith.constant 0 : i32
        %dma_wait3A_271 = tpu.memref_slice %arg9[%run_scoped3A, %while3A_246, %dma_wait3A_270] : memref<3x8x64xi32, #tpu.memory_space<vmem>> -> memref<1x1x64xi32, #tpu.memory_space<vmem>>
        %dma_wait3A_272 = tpu.memref_squeeze %dma_wait3A_271 : memref<1x1x64xi32, #tpu.memory_space<vmem>> -> memref<64xi32, #tpu.memory_space<vmem>>
        %dma_wait3A_273 = arith.constant 0 : i32
        %dma_wait3A_274 = arith.constant 0 : i32
        %dma_wait3A_275 = tpu.memref_slice %arg5[%dma_wait3A_273, %dma_wait3A_274] : memref<819200x64xf32, #tpu.memory_space<hbm>> -> memref<819200x64xf32, #tpu.memory_space<hbm>>
        tpu.wait_indirect_dma semaphore(%run_scoped3A_263 : memref<!tpu.dma_semaphore, #tpu.memory_space<semaphore_mem>>) src(%arg11 : memref<64x64xf32, #tpu.memory_space<vmem>>) dst(%dma_wait3A_275 : memref<819200x64xf32, #tpu.memory_space<hbm>>)
        tpu.yield
      }) : () -> ()
      %while3A_262 = arith.constant 0 : i32
      scf.yield %while3A_262 : i32
    }
    %while3A_198 = arith.constant 1 : i32
    %while3A_199 = scf.for %while3A_246 = %while3A_195 to %while3A_191 step %while3A_198 iter_args(%while3A_247 = %while3A_197) -> (i32)  : i32 {
      %dma_start3A_248 = arith.constant 0 : i32
      %dma_start3A_249 = arith.constant 0 : i32
      %dma_start3A_250 = tpu.memref_slice %arg8[%dma_start3A_248, %while3A_246, %dma_start3A_249] : memref<3x8x64xi32, #tpu.memory_space<vmem>> -> memref<1x1x64xi32, #tpu.memory_space<vmem>>
      %dma_start3A_251 = tpu.memref_squeeze %dma_start3A_250 : memref<1x1x64xi32, #tpu.memory_space<vmem>> -> memref<64xi32, #tpu.memory_space<vmem>>
      %dma_start3A_252 = arith.constant 0 : i32
      %dma_start3A_253 = arith.constant 0 : i32
      %dma_start3A_254 = tpu.memref_slice %arg4[%dma_start3A_252, %dma_start3A_253] : memref<100000x64xf32, #tpu.memory_space<hbm>> -> memref<100000x64xf32, #tpu.memory_space<hbm>>
      tpu.enqueue_indirect_dma source(%dma_start3A_254 : memref<100000x64xf32, #tpu.memory_space<hbm>>) target(%arg11 : memref<64x64xf32, #tpu.memory_space<vmem>>) offsets(%dma_start3A_251 : memref<64xi32, #tpu.memory_space<vmem>>) semaphore(%arg17 : memref<!tpu.dma_semaphore, #tpu.memory_space<semaphore_mem>>)
      %dma_wait3A_255 = arith.constant 0 : i32
      %dma_wait3A_256 = arith.constant 0 : i32
      %dma_wait3A_257 = tpu.memref_slice %arg8[%dma_wait3A_255, %while3A_246, %dma_wait3A_256] : memref<3x8x64xi32, #tpu.memory_space<vmem>> -> memref<1x1x64xi32, #tpu.memory_space<vmem>>
      %dma_wait3A_258 = tpu.memref_squeeze %dma_wait3A_257 : memref<1x1x64xi32, #tpu.memory_space<vmem>> -> memref<64xi32, #tpu.memory_space<vmem>>
      %dma_wait3A_259 = arith.constant 0 : i32
      %dma_wait3A_260 = arith.constant 0 : i32
      %dma_wait3A_261 = tpu.memref_slice %arg4[%dma_wait3A_259, %dma_wait3A_260] : memref<100000x64xf32, #tpu.memory_space<hbm>> -> memref<100000x64xf32, #tpu.memory_space<hbm>>
      tpu.wait_indirect_dma semaphore(%arg17 : memref<!tpu.dma_semaphore, #tpu.memory_space<semaphore_mem>>) src(%dma_wait3A_261 : memref<100000x64xf32, #tpu.memory_space<hbm>>) dst(%arg11 : memref<64x64xf32, #tpu.memory_space<vmem>>)
      %run_scoped3A = arith.constant 0 : i32
      "tpu.region"() ({
        %run_scoped3A_263 = tpu.sem_alloc : memref<!tpu.dma_semaphore, #tpu.memory_space<semaphore_mem>>
        %dma_start3A_264 = arith.constant 0 : i32
        %dma_start3A_265 = tpu.memref_slice %arg9[%run_scoped3A, %while3A_246, %dma_start3A_264] : memref<3x8x64xi32, #tpu.memory_space<vmem>> -> memref<1x1x64xi32, #tpu.memory_space<vmem>>
        %dma_start3A_266 = tpu.memref_squeeze %dma_start3A_265 : memref<1x1x64xi32, #tpu.memory_space<vmem>> -> memref<64xi32, #tpu.memory_space<vmem>>
        %dma_start3A_267 = arith.constant 0 : i32
        %dma_start3A_268 = arith.constant 0 : i32
        %dma_start3A_269 = tpu.memref_slice %arg5[%dma_start3A_267, %dma_start3A_268] : memref<819200x64xf32, #tpu.memory_space<hbm>> -> memref<819200x64xf32, #tpu.memory_space<hbm>>
        tpu.enqueue_indirect_dma source(%arg11 : memref<64x64xf32, #tpu.memory_space<vmem>>) target(%dma_start3A_269 : memref<819200x64xf32, #tpu.memory_space<hbm>>) offsets(%dma_start3A_266 : memref<64xi32, #tpu.memory_space<vmem>>) semaphore(%run_scoped3A_263 : memref<!tpu.dma_semaphore, #tpu.memory_space<semaphore_mem>>)
        %dma_wait3A_270 = arith.constant 0 : i32
        %dma_wait3A_271 = tpu.memref_slice %arg9[%run_scoped3A, %while3A_246, %dma_wait3A_270] : memref<3x8x64xi32, #tpu.memory_space<vmem>> -> memref<1x1x64xi32, #tpu.memory_space<vmem>>
        %dma_wait3A_272 = tpu.memref_squeeze %dma_wait3A_271 : memref<1x1x64xi32, #tpu.memory_space<vmem>> -> memref<64xi32, #tpu.memory_space<vmem>>
        %dma_wait3A_273 = arith.constant 0 : i32
        %dma_wait3A_274 = arith.constant 0 : i32
        %dma_wait3A_275 = tpu.memref_slice %arg5[%dma_wait3A_273, %dma_wait3A_274] : memref<819200x64xf32, #tpu.memory_space<hbm>> -> memref<819200x64xf32, #tpu.memory_space<hbm>>
        tpu.wait_indirect_dma semaphore(%run_scoped3A_263 : memref<!tpu.dma_semaphore, #tpu.memory_space<semaphore_mem>>) src(%arg11 : memref<64x64xf32, #tpu.memory_space<vmem>>) dst(%dma_wait3A_275 : memref<819200x64xf32, #tpu.memory_space<hbm>>)
        tpu.yield
      }) : () -> ()
      %while3A_262 = arith.constant 0 : i32
      scf.yield %while3A_262 : i32
    }
    %dma_wait3A_200 = arith.constant 0 : i32
    %dma_wait3A_201 = tpu.memref_slice %arg5[%add3A_19, %dma_wait3A_200] : memref<819200x64xf32, #tpu.memory_space<hbm>> -> memref<512x64xf32, #tpu.memory_space<hbm>>
    %dma_wait3A_202 = arith.constant 0 : i32
    %dma_wait3A_203 = arith.constant 0 : i32
    %dma_wait3A_204 = tpu.memref_slice %arg12[%arg1, %dma_wait3A_202, %dma_wait3A_203] : memref<16x512x64xf32, #tpu.memory_space<vmem_shared>> -> memref<1x512x64xf32, #tpu.memory_space<vmem_shared>>
    %dma_wait3A_205 = tpu.memref_squeeze %dma_wait3A_204 : memref<1x512x64xf32, #tpu.memory_space<vmem_shared>> -> memref<512x64xf32, #tpu.memory_space<vmem_shared>>
    tpu.wait_dma2 semaphore(%arg16 : memref<!tpu.dma_semaphore, #tpu.memory_space<semaphore_mem>>) src(%dma_wait3A_205 : memref<512x64xf32, #tpu.memory_space<vmem_shared>>) dst(%dma_wait3A_201 : memref<512x64xf32, #tpu.memory_space<hbm>>)
    %add3A_206 = arith.constant 64 : i32
    %add3A_207 = arith.addi %scan3A_16#1, %add3A_206 : i32
    %sub3A_208 = arith.constant 1 : i32
    %sub3A_209 = arith.subi %add3A_207, %sub3A_208 : i32
    %jit3A_210 = arith.constant 64 : i32
    %div3A_211 = arith.divsi %sub3A_209, %jit3A_210 : i32
    %sign3A_212 = arith.constant 0 : i32
    %sign3A_213 = arith.cmpi sgt, %sub3A_209, %sign3A_212 : i32
    %sign3A_214 = arith.extui %sign3A_213 : i1 to i32
    %sign3A_215 = arith.constant 0 : i32
    %sign3A_216 = arith.cmpi slt, %sub3A_209, %sign3A_215 : i32
    %sign3A_217 = arith.extui %sign3A_216 : i1 to i32
    %sign3A_218 = arith.subi %sign3A_214, %sign3A_217 : i32
    %sign3A_219 = arith.constant 0 : i32
    %sign3A_220 = arith.cmpi sgt, %jit3A_210, %sign3A_219 : i32
    %sign3A_221 = arith.extui %sign3A_220 : i1 to i32
    %sign3A_222 = arith.constant 0 : i32
    %sign3A_223 = arith.cmpi slt, %jit3A_210, %sign3A_222 : i32
    %sign3A_224 = arith.extui %sign3A_223 : i1 to i32
    %sign3A_225 = arith.subi %sign3A_221, %sign3A_224 : i32
    %ne3A_226 = arith.cmpi ne, %sign3A_218, %sign3A_225 : i32
    %rem3A_227 = arith.remsi %sub3A_209, %jit3A_210 : i32
    %ne3A_228 = arith.constant 0 : i32
    %ne3A_229 = arith.cmpi ne, %rem3A_227, %ne3A_228 : i32
    %and3A_230 = arith.andi %ne3A_226, %ne3A_229 : i1
    %sub3A_231 = arith.constant 1 : i32
    %sub3A_232 = arith.subi %div3A_211, %sub3A_231 : i32
    %select_n3A_233 = arith.select %and3A_230, %sub3A_232, %div3A_211 : i32
    %while3A_234 = arith.constant 0 : i32
    %while3A_235 = arith.constant 0 : i32
    %while3A_236 = arith.subi %select_n3A_233, %while3A_234 : i32
    %while3A_237 = arith.addi %while3A_234, %while3A_236 : i32
    %while3A_238 = arith.constant 1 : i32
    %while3A_239 = arith.divsi %while3A_236, %while3A_238 : i32
    %while3A_240 = arith.muli %while3A_239, %while3A_238 : i32
    %while3A_241 = arith.addi %while3A_234, %while3A_240 : i32
    %while3A_242 = arith.constant 1 : i32
    %while3A_243 = scf.for %while3A_246 = %while3A_234 to %while3A_241 step %while3A_242 iter_args(%while3A_247 = %while3A_235) -> (i32)  : i32 {
      %dma_start3A_248 = arith.constant 1 : i32
      %dma_start3A_249 = arith.constant 0 : i32
      %dma_start3A_250 = tpu.memref_slice %arg8[%dma_start3A_248, %while3A_246, %dma_start3A_249] : memref<3x8x64xi32, #tpu.memory_space<vmem>> -> memref<1x1x64xi32, #tpu.memory_space<vmem>>
      %dma_start3A_251 = tpu.memref_squeeze %dma_start3A_250 : memref<1x1x64xi32, #tpu.memory_space<vmem>> -> memref<64xi32, #tpu.memory_space<vmem>>
      %dma_start3A_252 = arith.constant 0 : i32
      %dma_start3A_253 = arith.constant 0 : i32
      %dma_start3A_254 = tpu.memref_slice %arg4[%dma_start3A_252, %dma_start3A_253] : memref<100000x64xf32, #tpu.memory_space<hbm>> -> memref<100000x64xf32, #tpu.memory_space<hbm>>
      tpu.enqueue_indirect_dma source(%dma_start3A_254 : memref<100000x64xf32, #tpu.memory_space<hbm>>) target(%arg11 : memref<64x64xf32, #tpu.memory_space<vmem>>) offsets(%dma_start3A_251 : memref<64xi32, #tpu.memory_space<vmem>>) semaphore(%arg17 : memref<!tpu.dma_semaphore, #tpu.memory_space<semaphore_mem>>)
      %dma_wait3A_255 = arith.constant 1 : i32
      %dma_wait3A_256 = arith.constant 0 : i32
      %dma_wait3A_257 = tpu.memref_slice %arg8[%dma_wait3A_255, %while3A_246, %dma_wait3A_256] : memref<3x8x64xi32, #tpu.memory_space<vmem>> -> memref<1x1x64xi32, #tpu.memory_space<vmem>>
      %dma_wait3A_258 = tpu.memref_squeeze %dma_wait3A_257 : memref<1x1x64xi32, #tpu.memory_space<vmem>> -> memref<64xi32, #tpu.memory_space<vmem>>
      %dma_wait3A_259 = arith.constant 0 : i32
      %dma_wait3A_260 = arith.constant 0 : i32
      %dma_wait3A_261 = tpu.memref_slice %arg4[%dma_wait3A_259, %dma_wait3A_260] : memref<100000x64xf32, #tpu.memory_space<hbm>> -> memref<100000x64xf32, #tpu.memory_space<hbm>>
      tpu.wait_indirect_dma semaphore(%arg17 : memref<!tpu.dma_semaphore, #tpu.memory_space<semaphore_mem>>) src(%dma_wait3A_261 : memref<100000x64xf32, #tpu.memory_space<hbm>>) dst(%arg11 : memref<64x64xf32, #tpu.memory_space<vmem>>)
      %run_scoped3A = arith.constant 1 : i32
      "tpu.region"() ({
        %run_scoped3A_263 = tpu.sem_alloc : memref<!tpu.dma_semaphore, #tpu.memory_space<semaphore_mem>>
        %dma_start3A_264 = arith.constant 0 : i32
        %dma_start3A_265 = tpu.memref_slice %arg9[%run_scoped3A, %while3A_246, %dma_start3A_264] : memref<3x8x64xi32, #tpu.memory_space<vmem>> -> memref<1x1x64xi32, #tpu.memory_space<vmem>>
        %dma_start3A_266 = tpu.memref_squeeze %dma_start3A_265 : memref<1x1x64xi32, #tpu.memory_space<vmem>> -> memref<64xi32, #tpu.memory_space<vmem>>
        %dma_start3A_267 = arith.constant 0 : i32
        %dma_start3A_268 = arith.constant 0 : i32
        %dma_start3A_269 = tpu.memref_slice %arg5[%dma_start3A_267, %dma_start3A_268] : memref<819200x64xf32, #tpu.memory_space<hbm>> -> memref<819200x64xf32, #tpu.memory_space<hbm>>
        tpu.enqueue_indirect_dma source(%arg11 : memref<64x64xf32, #tpu.memory_space<vmem>>) target(%dma_start3A_269 : memref<819200x64xf32, #tpu.memory_space<hbm>>) offsets(%dma_start3A_266 : memref<64xi32, #tpu.memory_space<vmem>>) semaphore(%run_scoped3A_263 : memref<!tpu.dma_semaphore, #tpu.memory_space<semaphore_mem>>)
        %dma_wait3A_270 = arith.constant 0 : i32
        %dma_wait3A_271 = tpu.memref_slice %arg9[%run_scoped3A, %while3A_246, %dma_wait3A_270] : memref<3x8x64xi32, #tpu.memory_space<vmem>> -> memref<1x1x64xi32, #tpu.memory_space<vmem>>
        %dma_wait3A_272 = tpu.memref_squeeze %dma_wait3A_271 : memref<1x1x64xi32, #tpu.memory_space<vmem>> -> memref<64xi32, #tpu.memory_space<vmem>>
        %dma_wait3A_273 = arith.constant 0 : i32
        %dma_wait3A_274 = arith.constant 0 : i32
        %dma_wait3A_275 = tpu.memref_slice %arg5[%dma_wait3A_273, %dma_wait3A_274] : memref<819200x64xf32, #tpu.memory_space<hbm>> -> memref<819200x64xf32, #tpu.memory_space<hbm>>
        tpu.wait_indirect_dma semaphore(%run_scoped3A_263 : memref<!tpu.dma_semaphore, #tpu.memory_space<semaphore_mem>>) src(%arg11 : memref<64x64xf32, #tpu.memory_space<vmem>>) dst(%dma_wait3A_275 : memref<819200x64xf32, #tpu.memory_space<hbm>>)
        tpu.yield
      }) : () -> ()
      %while3A_262 = arith.constant 0 : i32
      scf.yield %while3A_262 : i32
    }
    %while3A_244 = arith.constant 1 : i32
    %while3A_245 = scf.for %while3A_246 = %while3A_241 to %while3A_237 step %while3A_244 iter_args(%while3A_247 = %while3A_243) -> (i32)  : i32 {
      %dma_start3A_248 = arith.constant 1 : i32
      %dma_start3A_249 = arith.constant 0 : i32
      %dma_start3A_250 = tpu.memref_slice %arg8[%dma_start3A_248, %while3A_246, %dma_start3A_249] : memref<3x8x64xi32, #tpu.memory_space<vmem>> -> memref<1x1x64xi32, #tpu.memory_space<vmem>>
      %dma_start3A_251 = tpu.memref_squeeze %dma_start3A_250 : memref<1x1x64xi32, #tpu.memory_space<vmem>> -> memref<64xi32, #tpu.memory_space<vmem>>
      %dma_start3A_252 = arith.constant 0 : i32
      %dma_start3A_253 = arith.constant 0 : i32
      %dma_start3A_254 = tpu.memref_slice %arg4[%dma_start3A_252, %dma_start3A_253] : memref<100000x64xf32, #tpu.memory_space<hbm>> -> memref<100000x64xf32, #tpu.memory_space<hbm>>
      tpu.enqueue_indirect_dma source(%dma_start3A_254 : memref<100000x64xf32, #tpu.memory_space<hbm>>) target(%arg11 : memref<64x64xf32, #tpu.memory_space<vmem>>) offsets(%dma_start3A_251 : memref<64xi32, #tpu.memory_space<vmem>>) semaphore(%arg17 : memref<!tpu.dma_semaphore, #tpu.memory_space<semaphore_mem>>)
      %dma_wait3A_255 = arith.constant 1 : i32
      %dma_wait3A_256 = arith.constant 0 : i32
      %dma_wait3A_257 = tpu.memref_slice %arg8[%dma_wait3A_255, %while3A_246, %dma_wait3A_256] : memref<3x8x64xi32, #tpu.memory_space<vmem>> -> memref<1x1x64xi32, #tpu.memory_space<vmem>>
      %dma_wait3A_258 = tpu.memref_squeeze %dma_wait3A_257 : memref<1x1x64xi32, #tpu.memory_space<vmem>> -> memref<64xi32, #tpu.memory_space<vmem>>
      %dma_wait3A_259 = arith.constant 0 : i32
      %dma_wait3A_260 = arith.constant 0 : i32
      %dma_wait3A_261 = tpu.memref_slice %arg4[%dma_wait3A_259, %dma_wait3A_260] : memref<100000x64xf32, #tpu.memory_space<hbm>> -> memref<100000x64xf32, #tpu.memory_space<hbm>>
      tpu.wait_indirect_dma semaphore(%arg17 : memref<!tpu.dma_semaphore, #tpu.memory_space<semaphore_mem>>) src(%dma_wait3A_261 : memref<100000x64xf32, #tpu.memory_space<hbm>>) dst(%arg11 : memref<64x64xf32, #tpu.memory_space<vmem>>)
      %run_scoped3A = arith.constant 1 : i32
      "tpu.region"() ({
        %run_scoped3A_263 = tpu.sem_alloc : memref<!tpu.dma_semaphore, #tpu.memory_space<semaphore_mem>>
        %dma_start3A_264 = arith.constant 0 : i32
        %dma_start3A_265 = tpu.memref_slice %arg9[%run_scoped3A, %while3A_246, %dma_start3A_264] : memref<3x8x64xi32, #tpu.memory_space<vmem>> -> memref<1x1x64xi32, #tpu.memory_space<vmem>>
        %dma_start3A_266 = tpu.memref_squeeze %dma_start3A_265 : memref<1x1x64xi32, #tpu.memory_space<vmem>> -> memref<64xi32, #tpu.memory_space<vmem>>
        %dma_start3A_267 = arith.constant 0 : i32
        %dma_start3A_268 = arith.constant 0 : i32
        %dma_start3A_269 = tpu.memref_slice %arg5[%dma_start3A_267, %dma_start3A_268] : memref<819200x64xf32, #tpu.memory_space<hbm>> -> memref<819200x64xf32, #tpu.memory_space<hbm>>
        tpu.enqueue_indirect_dma source(%arg11 : memref<64x64xf32, #tpu.memory_space<vmem>>) target(%dma_start3A_269 : memref<819200x64xf32, #tpu.memory_space<hbm>>) offsets(%dma_start3A_266 : memref<64xi32, #tpu.memory_space<vmem>>) semaphore(%run_scoped3A_263 : memref<!tpu.dma_semaphore, #tpu.memory_space<semaphore_mem>>)
        %dma_wait3A_270 = arith.constant 0 : i32
        %dma_wait3A_271 = tpu.memref_slice %arg9[%run_scoped3A, %while3A_246, %dma_wait3A_270] : memref<3x8x64xi32, #tpu.memory_space<vmem>> -> memref<1x1x64xi32, #tpu.memory_space<vmem>>
        %dma_wait3A_272 = tpu.memref_squeeze %dma_wait3A_271 : memref<1x1x64xi32, #tpu.memory_space<vmem>> -> memref<64xi32, #tpu.memory_space<vmem>>
        %dma_wait3A_273 = arith.constant 0 : i32
        %dma_wait3A_274 = arith.constant 0 : i32
        %dma_wait3A_275 = tpu.memref_slice %arg5[%dma_wait3A_273, %dma_wait3A_274] : memref<819200x64xf32, #tpu.memory_space<hbm>> -> memref<819200x64xf32, #tpu.memory_space<hbm>>
        tpu.wait_indirect_dma semaphore(%run_scoped3A_263 : memref<!tpu.dma_semaphore, #tpu.memory_space<semaphore_mem>>) src(%arg11 : memref<64x64xf32, #tpu.memory_space<vmem>>) dst(%dma_wait3A_275 : memref<819200x64xf32, #tpu.memory_space<hbm>>)
        tpu.yield
      }) : () -> ()
      %while3A_262 = arith.constant 0 : i32
      scf.yield %while3A_262 : i32
    }
    return
  }
}

</mosaic_0001>

<sc_bundles>
// kernel: _emb_lookup.3.cloned.1.call-start
scs
__scs_entry_jumppad:
0x0: {  	(pc) =	sbr.rel $0x88, $3  }
0x1: {  	(tag) =	ssettag $0x0;
	lr =	simm.s32 $0x1  }
0x2: {  	[smem:$0x3F9E] =	sst lr;
	_ =	strace $0xD0000000  }
0x3: {  	_ = 	snop  }
0x4: {  	_ = 	snop  }
0x5: {  	_ = 	snop  }
0x6: {  	_ = 	snop  }
0x7: {  	_ = 	snop  }
__scs_overlays_trampoline_lowered:
0x8: {  	[smem:$0x3FAD] =	sst s0  }
0x9: {  	[smem:$0x3FAE] =	sst s1  }
0xa: {  	[smem:$0x3FAF] =	sst s2  }
0xb: {  	[smem:$0x3FB0] =	sst s3  }
0xc: {  	[smem:$0x3FB1] =	sst s4  }
0xd: {  	[smem:$0x3FB2] =	sst s5  }
0xe: {  	[smem:$0x3FB3] =	sst s6  }
0xf: {  	[smem:$0x3FB4] =	sst s7  }
0x10: {  	[smem:$0x3FB5] =	sst s8  }
0x11: {  	[smem:$0x3FB6] =	sst s9;
	s0 =	simm.s32 @!p0 $0x0  }
0x12: {  	s1 =	sld [smem:$0x3F9C];
	s0 =	simm.s32 @p0 $0x1  }
0x13: {  	[smem:$0x3FB7] =	sst s0;
	s0 =	simm.s32 @!p1 $0x0  }
0x14: {  	s2 =	sld [smem:$0x3F9B];
	s0 =	simm.s32 @p1 $0x1  }
0x15: {  	[smem:$0x3FB8] =	sst s0;
	s0 =	simm.s32 @!p2 $0x0  }
0x16: {  	s3 =	sld [smem:$0x3FDB];
	s0 =	simm.s32 @p2 $0x1  }
0x17: {  	s4 =	simm.s32 $0x1BF5;
	[smem:$0x3FBA] =	sst s0  }
0x18: {  	s0 =	sld [smem:$0x3F9D];
	_ =	swait.ge [sflag:s4], $0x0  }
0x19: {  	s7 =	sld [smem:$0x3F9E]  }
0x1a: {  	s8 =	sadd.s32 $0xFFFFE003, lr  }
0x1b: {  	s9 =	sadd.s32 $0xFFFFFEF7, lr;
	s5 =	simm.s32 $0xFFFFFFFF;
	p2 =	slt.u32 s8, $0xFFFFF086  }
0x1c: {  	p1 =	slt.u32 s9, $0xF7A;
	s5 =	simm.s32 @!p2 $0x0  }
0x1d: {  	s5 =	simm.s32 @p1 $0x1;
	p0 =	seq.s32 s7, s2  }
0x1e: {  	s7 =	smul.u32 @!p0 $0xF7A, s2;
	p2 =	seq.s32 @!p0 s5, $0x0  }
0x1f: {  	s9 =	smul.u32 $0xF7A, s1;
	s8 =	simm.s32 @!p0 $0x1BF5;
	p2 =	por !p2, p0  }
0x20: {  	[sflag:s8] =	ssyncset.s32 @!p0 $0xFFFFF086;
	s6 =	sadd.s32 @!p0 s3, s7;
	s7 =	simm.s32 @!p0 $0x108  }
0x21: {  	s3 =	sadd.s32 s3, s9;
	s6 =	sadd.s32 @!p0 $0x88, s6;
	s7 =	simm.s32 @p2 $0x1082  }
0x22: {  	[simem:s7], [sflag:s8] =	dma.local @!p0 [hbm:s6], $0xF7A  }
0x23: {  	s9 =	sor.u32 $0xD0000000, s2;
	s6 =	simm.s32 $0x108;
	_ =	swait.ge @!p0 [sflag:s8], $0x0  }
0x24: {  	s3 =	sadd.s32 $0x88, s3;
	s6 =	simm.s32 @!p1 $0x1082;
	[sflag:s4] =	ssyncset.s32 $0xFFFFF086  }
0x25: {  	[simem:s6], [sflag:s4] =	dma.local [hbm:s3], $0xF7A  }
0x26: {  	[smem:$0x3F9E] =	sst s1;
	(tag) =	ssettag s2;
	_ =	strace s9  }
0x27: {  	s1 =	sld [smem:$0x3FAE]  }
0x28: {  	s2 =	sld [smem:$0x3FAF]  }
0x29: {  	s4 =	sld [smem:$0x3FB1]  }
0x2a: {  	p0 =	seq.s32 s5, $0x0;
	s5 =	sld [smem:$0x3FB2]  }
0x2b: {  	s6 =	sld [smem:$0x3FB3]  }
0x2c: {  	s7 =	sld [smem:$0x3FB4]  }
0x2d: {  	s3 =	simm.s32 $0x108;
	s8 =	sld [smem:$0x3FB5]  }
0x2e: {  	s3 =	simm.s32 @!p0 $0x1082;
	s9 =	sld [smem:$0x3FB6]  }
0x2f: {  	lr =	sadd.s32 s0, s3;
	s0 =	sld [smem:$0x3FAD]  }
0x30: {  	s3 =	sld [smem:$0x3FB0]  }
0x31: {  	[smem:$0x3FB9] =	sst s10  }
0x32: {  	s10 =	sld [smem:$0x3FB7];
	_ =	sdelay $0x3  }
0x33: {  	p0 =	seq.s32 s10, $0x1;
	s10 =	sld [smem:$0x3FB9];
	_ =	sdelay $0x3  }
0x34: {  	[smem:$0x3FB9] =	sst s10  }
0x35: {  	s10 =	sld [smem:$0x3FB8];
	_ =	sdelay $0x3  }
0x36: {  	p1 =	seq.s32 s10, $0x1;
	s10 =	sld [smem:$0x3FB9];
	_ =	sdelay $0x3  }
0x37: {  	[smem:$0x3FB9] =	sst s10  }
0x38: {  	s10 =	sld [smem:$0x3FBA]  }
0x39: {  	_ = 	snop;
	(pc) =	sbr.ind lr, $3  }
0x3a: {  	_ = 	snop  }
0x3b: {  	_ = 	snop  }
0x3c: {  	p2 =	seq.s32 s10, $0x1;
	s10 =	sld [smem:$0x3FB9]  }
0x3d: {  	_ =	shalt  }
0x3e: {  	_ =	shalt  }
0x3f: {  	_ =	shalt  }
0x40: {  	_ =	shalt  }
0x41: {  	_ =	shalt  }
0x42: {  	_ =	shalt  }
0x43: {  	_ =	shalt  }
0x44: {  	_ =	shalt  }
0x45: {  	_ =	shalt  }
0x46: {  	_ =	shalt  }
0x47: {  	_ =	shalt  }
0x48: {  	_ =	shalt  }
0x49: {  	_ =	shalt  }
0x4a: {  	_ =	shalt  }
0x4b: {  	_ =	shalt  }
0x4c: {  	_ =	shalt  }
0x4d: {  	_ =	shalt  }
0x4e: {  	_ =	shalt  }
0x4f: {  	_ =	shalt  }
0x50: {  	_ =	shalt  }
0x51: {  	_ =	shalt  }
0x52: {  	_ =	shalt  }
0x53: {  	_ =	shalt  }
0x54: {  	_ =	shalt  }
0x55: {  	_ =	shalt  }
0x56: {  	_ =	shalt  }
0x57: {  	_ =	shalt  }
0x58: {  	_ =	shalt  }
0x59: {  	_ =	shalt  }
0x5a: {  	_ =	shalt  }
0x5b: {  	_ =	shalt  }
0x5c: {  	_ =	shalt  }
0x5d: {  	_ =	shalt  }
0x5e: {  	_ =	shalt  }
0x5f: {  	_ =	shalt  }
0x60: {  	_ =	shalt  }
0x61: {  	_ =	shalt  }
0x62: {  	_ =	shalt  }
0x63: {  	_ =	shalt  }
0x64: {  	_ =	shalt  }
0x65: {  	_ =	shalt  }
0x66: {  	_ =	shalt  }
0x67: {  	_ =	shalt  }
0x68: {  	_ =	shalt  }
0x69: {  	_ =	shalt  }
0x6a: {  	_ =	shalt  }
0x6b: {  	_ =	shalt  }
0x6c: {  	_ =	shalt  }
0x6d: {  	_ =	shalt  }
0x6e: {  	_ =	shalt  }
0x6f: {  	_ =	shalt  }
0x70: {  	_ =	shalt  }
0x71: {  	_ =	shalt  }
0x72: {  	_ =	shalt  }
0x73: {  	_ =	shalt  }
0x74: {  	_ =	shalt  }
0x75: {  	_ =	shalt  }
0x76: {  	_ =	shalt  }
0x77: {  	_ =	shalt  }
0x78: {  	_ =	shalt  }
0x79: {  	_ =	shalt  }
0x7a: {  	_ =	shalt  }
0x7b: {  	_ =	shalt  }
0x7c: {  	_ =	shalt  }
0x7d: {  	_ =	shalt  }
0x7e: {  	_ =	shalt  }
0x7f: {  	_ =	shalt  }
0x80: {  	_ =	shalt  }
0x81: {  	_ =	shalt  }
0x82: {  	_ =	shalt  }
0x83: {  	_ =	shalt  }
0x84: {  	_ =	shalt  }
0x85: {  	_ =	shalt  }
0x86: {  	_ =	shalt  }
0x87: {  	_ =	shalt  }
.Lfunc_end0:
.L_simem_size_0:
called_computation.1_lowered:
.L_overlay_start_0:
0x88: {  	s2 =	sld [smem:$0x3FD9]  }
0x89: {  	s3 =	sld [smem:$0x3FFE];
	_ =	sdelay $0x1  }
0x8a: {  	s1 =	srdreg.scid  }
0x8b: {  	s0 =	sand.u32 $0x1, s1  }
0x8c: {  	s17 =	sshll.u32 s0, $0xA;
	s2 =	sadd.s32 s3, s2  }
0x8d: {  	s2 =	sadd.s32 s2, s17  }
0x8e: {  	[smem:$0x3FC5] =	sst s2  }
0x8f: {  	_ = 	snop  }
0x90: {  	s2 =	sld [smem:$0x3FC7]  }
0x91: {  	s18 =	sld [smem:$0x3FD0];
	(tm) =	ssettm $0x1  }
0x92: {  	s4 =	sld [smem:$0x3FFB];
	_ =	sdelay $0x3  }
0x93: {  	_ =	strace s4  }
0x94: {  	s4 =	sld [smem:$0x3FFC];
	_ =	sdelay $0x3  }
0x95: {  	_ =	strace s4  }
0x96: {  	s4 =	sld [smem:$0x3FFD];
	_ =	sdelay $0x3  }
0x97: {  	_ =	strace s4  }
0x98: {  	_ =	strace $0x8FFFFFFF  }
0x99: {  	s19 =	sld [smem:$0x3FDB];
	_ =	sdelay $0x1  }
0x9a: {  	s5 =	simm.s32 $_scs_section_size  }
0x9b: {  	s6 =	simm.s32 $_size__tile_overlayer_lowered;
	s7 =	simm.s32 $_tile_overlayer_lowered  }
0x9c: {  	s22 =	simm.s32 $0x1BFF;
	s21 =	sshll.u32 s7, $0x1;
	s4 =	sadd.s32 s5, s19  }
0x9d: {  	s8 =	simm.s32 $0x0;
	s20 =	sshll.u32 s6, $0x1;
	s6 =	sadd.s32 s21, s4  }
0x9e: {  	[timem:s8], [sflag:s22] =	dma.local [hbm:s6], s20  }
0x9f: {  	_ =	swait.ge [sflag:s22], s20  }
0xa0: {  	s5 =	ssub.s32 $0x0, s20;
	[sflag:s22] =	ssyncset.done $0x0  }
0xa1: {  	[sflag:s22] =	ssyncadd.s32 s5;
	_ =	sdelay $0x1  }
0xa2: {  	s23 =	simm.s32 $0x1B8B  }
0xa3: {  	_ =	swait.ge [sflag:s23], $0x1  }
0xa4: {  	[sflag:s23] =	ssyncset.done $0x0  }
0xa5: {  	s25 =	simm.s32 $0x1B8E;
	s24 =	sld [smem:$0x3FFE];
	[sflag:s23] =	ssyncadd.s32 $0xFFFFFFFF  }
0xa6: {  	s26 =	simm.s32 $execute0_lowered;
	[smem:$0x3FD2] =	sst s25  }
0xa7: {  	s6 =	sshll.u32 s26, $0x1;
	_ =	strace $0x80000046;
	[dreg:$0x1] =	wrdreg $0xFFFFFFFF  }
0xa8: {  	s28 =	simm.s32 $_size_execute0_lowered;
	s4 =	sadd.s32 s4, s6;
	[dreg:$0x0] =	wrdreg $0x0  }
0xa9: {  	s6 =	sshll.u32 s28, $0x1;
	[dreg:$0x2] =	wrdreg s4  }
0xaa: {  	[dreg:$0x3] =	wrdreg s6  }
0xab: {  	[dreg:$0x4] =	wrdreg $0xC0  }
0xac: {  	_ =	task [dreg:s8], $0x5FFFF  }
0xad: {  	[dreg:$0x1] =	wrdreg $0xFFFFFFFF  }
0xae: {  	[dreg:$0x0] =	wrdreg $0x60  }
0xaf: {  	[dreg:$0x2] =	wrdreg s2  }
0xb0: {  	[dreg:$0x3] =	wrdreg s24  }
0xb1: {  	[dreg:$0x4] =	wrdreg s18  }
0xb2: {  	[dreg:$0x5] =	wrdreg $0x124000  }
0xb3: {  	[dreg:$0x6] =	wrdreg $0x9  }
0xb4: {  	_ =	task.clear_ibuf [dreg:s8], $0x7FFFF;
	_ =	strace $0x90000046  }
0xb5: {  	s29 =	simm.s32 $0x9;
	_ =	strace $0x80000048  }
0xb6: {  	_ =	swait.ge [sflag:s29], $0x1  }
0xb7: {  	[sflag:s29] =	ssyncadd.s32 $0xFFFFFFFF  }
0xb8: {  	_ =	strace $0x90000048  }
0xb9: {  	_ =	sfence  }
0xba: {  	s30 =	sld [smem:$0x0];
	_ =	sdelay $0x2  }
0xbb: {  	s31 =	sshll.u32 s1, $0xD;
	s1 =	sshrl.u32 s1, $0x2  }
0xbc: {  	s3 =	sand.u32 $0x4000, s31;
	s1 =	sadd.s32 s1, s30  }
0xbd: {  	s0 =	sor.u32 s3, s0;
	s1 =	sshll.u32 s1, $0x11  }
0xbe: {  	s0 =	sor.u32 s1, s0  }
0xbf: {  	s0 =	sadd.s32 $0x8F2B, s0  }
0xc0: {  	[sflag:s0] =	ssyncadd.remote.s32 $0x1  }
0xc1: {  	_ =	sfence.sel $0xFFFF  }
0xc2: {  	[dreg:$0x0] =	wrdreg $0xFFFFFFFF;
	(pc) =	sbr.abs _section_cstart, $3  }
0xc3: {  	[dreg:$0x1] =	wrdreg $0xFFFFFFFF  }
0xc4: {  	_ =	task.clear_ibuf [dreg:s8], $0x2FFFF;
	_ =	strace $0x9FFFFFFF  }
0xc5: {  	(tm) =	ssettm $0x7FFFFFFF  }
tec
execute0_lowered:
.L_overlay_start_1:
0x0: {  	(tag) =	ssettag $0x1  }
0x1: {  	s24 =	rddreg [dreg:$0x0]  }
0x2: {  	s0 =	rddreg [dreg:$0x1]  }
0x3: {  	s2 =	rddreg [dreg:$0x2]  }
0x4: {  	s1 =	rddreg [dreg:$0x3]  }
0x5: {  	s4 =	simm.s32 $0x0;
	s3 =	srdreg.scid;
	s9 =	stileid.u32  }
0x6: {  	s11 =	simm.s32 $0x1;
	s14 =	simm.s32 $0x800;
	s15 =	simm.s32 $0xE00  }
0x7: {  	s17 =	simm.s32 $0x2;
	s19 =	simm.s32 $0x40;
	s20 =	simm.s32 $0x11400  }
0x8: {  	[smem:$0x7FF] =	sst s4;
	s3 =	sand.u32 $0x1, s3;
	s26 =	sshll.u32 s9, $0x1  }
0x9: {  	s5 =	sadd.s32 $0xDBC400, s0;
	s7 =	sadd.s32 $0xA00, s0;
	s8 =	smul.u32 $0xC800, s9  }
0xa: {  	s4 =	sor.u32 s3, s26;
	s6 =	ssub.s32 $0x2, s3;
	s3 =	smul.u32 $0x6400, s3  }
0xb: {  	s9 =	sshll.u32 s9, $0xF;
	_ =	strace $0x80000047;
	s10 =	smul.u32 $0x6400, s4  }
0xc: {  	s1 =	sadd.s32 s9, s1;
	s28 =	sshrl.u32 s6, $0x1;
	s4 =	smul.u32 $0x190000, s4  }
0xd: {  	[dreg:$0x6] =	wrdreg s1;
	s0 =	ssub.s32 s6, s28;
	s31 =	sadd.s32 s3, s8  }
.Ltmp0:
0xe: {  	s29 =	sshrl.u32 s10, $0x3;
	[dreg:$0x9] =	wrdreg s31;
	(pc) =	sbr.rel .LBB2_1-.Ltmp0, $4  }
0xf: {  	s4 =	sshrl.u32 s4, $0x3;
	s0 =	smax.u32 s0, $0x1;
	[dreg:$0xf] =	wrdreg s10  }
0x10: {  	s6 =	sadd.s32 s24, s29;
	s30 =	sadd.s32 s2, s4;
	[dreg:$0x8] =	wrdreg s0  }
0x11: {  	s21 =	simm.s32 $0x5;
	[dreg:$0x5] =	wrdreg s6;
	s1 =	sadd.s32 $0x31000, s30  }
0x12: {  	v0 =	vlaneseq.u32;
	v1 =	vimm.s32 $0x0;
	s22 =	simm.s32 $0x6;
	[dreg:$0x7] =	wrdreg s1;
	s1 =	simm.s32 $0x0  }
.LBB2_28:
0x13: {  	[sflag:s22] =	ssyncadd.s32 $0xFFFFF000;
	s1 =	rddreg [dreg:$0xa]  }
.LBB2_29:
0x14: {  	s1 =	sadd.s32 $0x1, s1;
	s0 =	rddreg [dreg:$0x8]  }
0x15: {  	p0 =	sne.s32 s1, s0  }
.Ltmp1:
0x16: {  	_ = 	snop;
	(pc) =	sbr.rel @!p0 .LBB2_30-.Ltmp1, $1  }
0x17: {  	_ =	sdelay $0x3  }
.LBB2_1:
.Ltmp2:
0x18: {  	[dreg:$0xa] =	wrdreg s1;
	(pc) =	sbr.rel .LBB2_2-.Ltmp2, $4  }
0x19: {  	s0 =	simm.s32 $0x0;
	s26 =	rddreg [dreg:$0x5];
	s28 =	simm.s32 $0xA00  }
0x1a: {  	s29 =	simm.s32 $0x1;
	s30 =	rddreg [dreg:$0x9];
	s25 =	simm.s32 $0x0  }
0x1b: {  	[tilespmem:s0], [sflag:$0x1] =	stream.linear.gather [hbm4b:s26+s0], $0x200, $0x38;
	[tilespmem:$0x1A400] =	vst v63  }
0x1c: {  	s18 =	simm.s32 $0x0;
	s31 =	simm.s32 $0x0;
	s26 =	simm.s32 $0x1000  }
.LBB2_19:
0x1d: {  	[sflag:s22] =	ssyncadd.s32 $0xFFFFF000  }
.LBB2_20:
0x1e: {  	p2 =	sne.s32 s31, $0x32  }
.Ltmp3:
0x1f: {  	_ = 	snop;
	(pc) =	sbr.rel @!p2 .LBB2_21-.Ltmp3, $3  }
0x20: {  	_ =	sdelay $0x1  }
0x21: {  	s30 =	sadd.s32 $0x200, s30  }
0x22: {  	s26 =	sadd.s32 $0x200, s26;
	s29 =	sadd.s32 $0x1, s29;
	s28 =	sadd.s32 $0x200, s28  }
.LBB2_2:
0x23: {  	s23 =	sand.u32 $0x1, s31;
	p0 =	seq.s32 s31, $0x31  }
0x24: {  	s0 =	sshll.u32 @!p0 s23, $0x9  }
0x25: {  	s1 =	sshll.u32 s31, $0x9;
	s3 =	sxor.u32 @!p0 $0x200, s0;
	s0 =	simm.s32 @p0 $0x200  }
0x26: {  	s1 =	sadd.s32 s10, s1;
	v3 =	vmov s0  }
0x27: {  	_ =	swait.ge [sflag:s11], $0x200;
	[dreg:$0xe] =	wrdreg s1;
	s1 =	sshrl.u32 @!p0 s1, $0x3  }
0x28: {  	s9 =	simm.s32 $0x0;
	[sflag:s11] =	ssyncset.done $0x0;
	s1 =	sadd.s32 @!p0 s24, s1  }
0x29: {  	s4 =	simm.s32 @!p0 $0x0;
	[sflag:s11] =	ssyncadd.s32 $0xFFFFFE00;
	s1 =	sadd.s32 @!p0 $0x40, s1  }
0x2a: {  	[tilespmem:s3], [sflag:$0x1] =	stream.linear.gather @!p0 [hbm4b:s1+s4], $0x200, $0x38;
	[tilespmem:$0x1A400] =	vst v63  }
0x2b: {  	v4 =	vld.idx.msk [tilespmem:v3+s9+$0x0 ss:$0x1], $0xffff;
	_ =	sdelay $0x4  }
0x2c: {  	vm0 =	vgt.s32 v4, $0xDBB9F  }
0x2d: {  	v2 =	vsel vm0, $0x1, v1  }
0x2e: {  	(xrf0) =	vadd.scan.msk.s32 $0xffff, v2;
	_ =	sdelay $0x1  }
0x2f: {  	s8 =	simm.s32 $0x0  }
0x30: {  	v2 =	vmov s8  }
0x31: {  	v2 =	vadd.s32 $0xFFFFFFFF, v2  }
0x32: {  	v2 =	vbroadcast v2, $0x0  }
0x33: {  	v5, _, _ =	vpop (xrf0)  }
0x34: {  	v6 =	vadd.s32 v5, v2  }
0x35: {  	s12 =	smul.u32 $0xAB, s31;
	v2 =	vshra.s32 v6, $0x1F  }
0x36: {  	v2 =	vshrl.u32 v2, $0x1A  }
0x37: {  	s1 =	sshrl.u32 s12, $0x9;
	(v2sf) =	vpush v5, $0xF;
	v2 =	vadd.s32 v2, v6  }
0x38: {  	s1 =	sand.u32 $0x7F, s1;
	v2 =	vshra.s32 v2, $0x6  }
0x39: {  	s1 =	smul.u32 $0x3, s1;
	v5 =	vshll.u32 v2, $0x6  }
0x3a: {  	vm1 =	vlt.s32 v6, $0x1;
	vm2 =	vne.s32 v6, v5  }
0x3b: {  	s1 =	ssub.s32 s31, s1;
	vm1 =	vmand vm1, vm2  }
0x3c: {  	s1 =	sand.u32 $0xFF, s1;
	v5 =	vsel vm1, $0xFFFFFFFF, v1  }
0x3d: {  	s1 =	sshll.u32 s1, $0x9;
	v5 =	vadd.s32 v5, v2  }
0x3e: {  	v2 =	vmov s1;
	v5 =	vshll.u32 v5, $0x6  }
0x3f: {  	s13 =	smulhi.u32 $0xAAAAAAAB, s29;
	v6 =	vand.u32 $0x3F, v6;
	v5 =	vadd.s32 v2, v5  }
0x40: {  	s16 =	sand.u32 $0x700, s8;
	v5 =	vor.u32 v6, v5  }
0x41: {  	s3 =	sshrl.u32 s13, $0x1;
	s12 =	sor.u32 $0x400, s0;
	s4 =	sshrl.u32 s16, $0x2  }
0x42: {  	s6 =	sand.u32 $0x30, s8;
	s3 =	smul.u32 $0xFFFFE800, s3;
	s0 =	sadd.s32 s4, s12  }
0x43: {  	[dreg:$0x10] =	wrdreg s18;
	s0 =	sadd.s32 s6, s0;
	v6 =	vsel vm0, $0x0, v4  }
0x44: {  	s18 =	smov.u32 s25;
	s6 =	sadd.s32 $0x0, s30;
	s3 =	sshra.s32 s3, $0x2;
	v4 =	vadd.s32 $0xFFF24460, v4;
	[tilespmem:s0+$0x0] =	vst v6  }
0x45: {  	s16 =	simm.s32 $0x40;
	s9 =	sadd.s32 $0x1, s31;
	s4 =	sadd.s32 s3, s28;
	v6 =	vor.u32 s6, v0;
	[tilespmem:v5+s14+$0x0] =	vst.idx.msk vm0, v4  }
0x46: {  	[dreg:$0xc] =	wrdreg s9;
	s9 =	simm.s32 $0x10;
	s13 =	spop (v2sf);
	[tilespmem:v5+s15+$0x0] =	vst.idx.msk vm0, v6  }
0x47: {  	s0 =	sadd.s32 s3, s26;
	s6 =	simm.s32 $0x80;
	s25 =	sadd.s32 $0x0, s13;
	v4 =	vld.idx.msk [tilespmem:v3+s9+$0x0 ss:$0x1], $0xffff  }
.LBB2_3:
0x48: {  	p0 =	sne.s32 s6, $0x7C0;
	_ =	sdelay $0x4  }
0x49: {  	vm0 =	vgt.s32 v4, $0xDBB9F;
	v5 =	vadd.s32 $0xFFF24460, v4  }
0x4a: {  	v4 =	vsel vm0, $0x0, v4;
	v6 =	vsel vm0, $0x1, v1  }
0x4b: {  	(xrf0) =	vadd.scan.msk.s32 $0xffff, v6;
	_ =	sdelay $0x2  }
0x4c: {  	v6 =	vmov s25  }
0x4d: {  	v6 =	vadd.s32 $0xFFFFFFFF, v6  }
0x4e: {  	v6 =	vbroadcast v6, $0x0  }
0x4f: {  	v7, _, _ =	vpop (xrf0)  }
0x50: {  	v6 =	vadd.s32 v7, v6;
	(v2sf) =	vpush v7, $0xF  }
0x51: {  	v7 =	vshra.s32 v6, $0x1F  }
0x52: {  	v7 =	vshrl.u32 v7, $0x1A  }
0x53: {  	v7 =	vadd.s32 v7, v6  }
0x54: {  	v7 =	vshra.s32 v7, $0x6  }
0x55: {  	v8 =	vshll.u32 v7, $0x6  }
0x56: {  	vm1 =	vlt.s32 v6, $0x1;
	vm2 =	vne.s32 v6, v8  }
0x57: {  	vm1 =	vmand vm1, vm2  }
0x58: {  	v8 =	vsel vm1, $0xFFFFFFFF, v1  }
0x59: {  	v7 =	vadd.s32 v8, v7  }
0x5a: {  	v7 =	vshll.u32 v7, $0x6  }
0x5b: {  	v6 =	vand.u32 $0x3F, v6;
	v7 =	vadd.s32 v2, v7  }
0x5c: {  	s9 =	sand.u32 $0x700, s16;
	s16 =	smov.u32 s6;
	v6 =	vor.u32 v6, v7  }
0x5d: {  	s8 =	sadd.s32 $0x10, s8;
	s9 =	sshrl.u32 s9, $0x2  }
0x5e: {  	s13 =	sand.u32 $0x30, s8;
	s9 =	sadd.s32 s9, s12  }
.Ltmp4:
0x5f: {  	s9 =	sadd.s32 s13, s9;
	s13 =	spop (v2sf);
	(pc) =	sbr.rel @p0 .LBB2_3-.Ltmp4, $4  }
0x60: {  	[tilespmem:s9+$0x0] =	vst v4;
	s9 =	sadd.s32 s8, s30;
	s25 =	sadd.s32 s25, s13  }
0x61: {  	v4 =	vor.u32 s9, v0;
	[tilespmem:v6+s14+$0x0] =	vst.idx.msk vm0, v5  }
0x62: {  	s9 =	sshra.s32 s6, $0x2;
	[tilespmem:v6+s15+$0x0] =	vst.idx.msk vm0, v4  }
0x63: {  	s6 =	sadd.s32 $0x40, s6;
	v4 =	vld.idx.msk [tilespmem:v3+s9+$0x0 ss:$0x1], $0xffff  }
0x64: {  	_ =	sdelay $0x3  }
0x65: {  	vm0 =	vgt.s32 v4, $0xDBB9F  }
0x66: {  	v3 =	vsel vm0, $0x1, v1  }
0x67: {  	(xrf0) =	vadd.scan.msk.s32 $0xffff, v3;
	_ =	sdelay $0x5  }
0x68: {  	v3, _, _ =	vpop (xrf0)  }
0x69: {  	(v2sf) =	vpush v3, $0xF;
	_ =	sdelay $0x8  }
0x6a: {  	v5 =	vmov s25  }
0x6b: {  	v5 =	vadd.s32 $0xFFFFFFFF, v5  }
0x6c: {  	v5 =	vbroadcast v5, $0x0;
	_ =	sdelay $0x1  }
0x6d: {  	v3 =	vadd.s32 v3, v5  }
0x6e: {  	s9 =	sand.u32 $0x700, s16;
	v5 =	vshra.s32 v3, $0x1F  }
0x6f: {  	s8 =	sadd.s32 $0x10, s8;
	s3 =	sshrl.u32 s9, $0x2;
	v5 =	vshrl.u32 v5, $0x1A;
	s6 =	spop (v2sf)  }
0x70: {  	s13 =	sand.u32 $0x30, s8;
	v5 =	vadd.s32 v5, v3;
	s25 =	sadd.s32 s25, s6;
	s6 =	sadd.s32 s3, s12  }
0x71: {  	v5 =	vshra.s32 v5, $0x6;
	s12 =	simm.s32 $0x1;
	s9 =	sadd.s32 $0x3F, s25;
	s6 =	sadd.s32 s13, s6  }
0x72: {  	v6 =	vshll.u32 v5, $0x6;
	s13 =	sand.u32 $0xF, s25;
	p6 =	slt.s32 s25, $0x1;
	s16 =	sand.u32 $0x3F, s9  }
0x73: {  	vm1 =	vlt.s32 v3, $0x1;
	vm2 =	vne.s32 v3, v6;
	s3 =	sshra.s32 s9, $0x1F;
	p0 =	slt.s32 s9, $0x1;
	p3 =	sne.s32 s13, $0x0  }
0x74: {  	vm1 =	vmand vm1, vm2;
	s13 =	simm.s32 $0x1;
	p1 =	sne.s32 s16, $0x0;
	s3 =	sshrl.u32 s3, $0x1A  }
0x75: {  	v62 =	vsel vm1, $0xFFFFFFFF, v1;
	s16 =	sshra.s32 s25, $0x1F;
	p2 =	por !p0, !p1;
	s9 =	sadd.s32 s3, s9  }
0x76: {  	v5 =	vadd.s32 v62, v5;
	s16 =	sshrl.u32 s16, $0x1C;
	p2 =	por !p2, !p2;
	s3 =	sshra.s32 s9, $0x6  }
0x77: {  	v5 =	vshll.u32 v5, $0x6;
	s9 =	sadd.s32 s16, s25;
	s12 =	simm.s32 @!p2 $0x0;
	p2 =	por !p6, !p3  }
0x78: {  	v3 =	vand.u32 $0x3F, v3;
	v2 =	vadd.s32 v2, v5;
	[dreg:$0xd] =	wrdreg s3;
	s12 =	ssub.s32 s3, s12;
	p2 =	por !p2, !p2  }
0x79: {  	v2 =	vor.u32 v3, v2;
	v3 =	vsel vm0, $0x0, v4;
	s9 =	sshra.s32 s9, $0x4;
	s13 =	simm.s32 @!p2 $0x0;
	s3 =	sshll.u32 s12, $0x6  }
0x7a: {  	[tilespmem:s6+$0x0] =	vst v3;
	s6 =	ssub.s32 s9, s13;
	s16 =	sshra.s32 s3, $0x4  }
0x7b: {  	p2 =	sge.s32 s6, s16  }
.Ltmp5:
0x7c: {  	_ = 	snop;
	(pc) =	sbr.rel @p2 .LBB2_12-.Ltmp5, $4  }
0x7d: {  	_ = 	snop  }
0x7e: {  	s8 =	sadd.s32 s8, s30;
	v3 =	vadd.s32 $0xFFF24460, v4  }
0x7f: {  	v63 =	vor.u32 s8, v0;
	[tilespmem:v2+s14+$0x0] =	vst.idx.msk vm0, v3  }
0x80: {  	[tilespmem:v2+s15+$0x0] =	vst.idx.msk vm0, v63  }
0x81: {  	s9 =	sshll.u32 s6, $0x4  }
0x82: {  	s8 =	sshra.s32 s9, $0x1F  }
0x83: {  	s8 =	sshrl.u32 s8, $0x1A  }
0x84: {  	[dreg:$0xb] =	wrdreg s18;
	s18 =	sadd.s32 s8, s9;
	s8 =	sadd.s32 $0x1, s6  }
0x85: {  	p4 =	slt.s32 s8, s16  }
.Ltmp6:
0x86: {  	_ = 	snop;
	(pc) =	sbr.rel @!p4 .LBB2_6-.Ltmp6, $4  }
0x87: {  	s13 =	sand.u32 $0xFFFFFFC0, s18  }
0x88: {  	p2 =	slt.s32 s9, $0x1;
	p3 =	sne.s32 s9, s13  }
0x89: {  	v2 =	vld.msk [tilespmem:s1+$0x800 ss:$0x0], $0xffff;
	p2 =	por !p2, !p3  }
0x8a: {  	v3 =	vld.msk [tilespmem:s1+$0xE00 ss:$0x0], $0xffff;
	v4 =	vmov s25;
	s6 =	sadd.s32 $0x10, s9;
	p3 =	por !p2, !p2;
	p2 =	por $0x0, $0x0  }
0x8b: {  	s11 =	smov.u32 s12  }
0x8c: {  	s3 =	smov.u32 s24;
	s13 =	simm.s32 $0x1;
	s12 =	sshra.s32 s6, $0x1F  }
0x8d: {  	s18 =	sshrl.u32 s18, $0x6;
	s24 =	sadd.s32 $0x1, s8;
	s13 =	simm.s32 @!p3 $0x0  }
0x8e: {  	s10 =	sshrl.u32 s12, $0x1A;
	p4 =	slt.s32 s24, s16;
	s13 =	ssub.s32 s18, s13  }
.Ltmp7:
0x8f: {  	s18 =	sadd.s32 s10, s6;
	s13 =	sshll.u32 s13, $0x6;
	(pc) =	sbr.rel @!p4 .LBB2_8-.Ltmp7, $4  }
0x90: {  	s10 =	sand.u32 $0x30, s9;
	s12 =	sand.u32 $0xFFFFFFC0, s18;
	s8 =	sadd.s32 s1, s13  }
0x91: {  	p2 =	slt.s32 s6, $0x1;
	p6 =	sne.s32 s6, s12;
	s13 =	sor.u32 s10, s8  }
0x92: {  	p2 =	por !p2, !p6;
	v5 =	vld [tilespmem:s13+$0x800]  }
0x93: {  	s8 =	sadd.s32 $0x10, s6;
	p3 =	por !p2, !p2;
	v6 =	vld [tilespmem:s13+$0xE00];
	p2 =	por $0x1, $0x1  }
.LBB2_9:
0x94: {  	s12 =	sshra.s32 s8, $0x1F;
	s10 =	simm.s32 $0x1  }
0x95: {  	s18 =	sshrl.u32 s18, $0x6;
	s24 =	sadd.s32 $0x1, s24;
	s10 =	simm.s32 @!p3 $0x0  }
0x96: {  	v7 =	vor.u32 s9, v0;
	s12 =	sshrl.u32 s12, $0x1A;
	p4 =	slt.s32 s24, s16;
	s10 =	ssub.s32 s18, s10  }
.Ltmp8:
0x97: {  	vm0 =	vlt.s32 v7, v4;
	s18 =	sadd.s32 s12, s8;
	s9 =	sshll.u32 s10, $0x6;
	(pc) =	sbr.rel @p4 .LBB2_9-.Ltmp8, $4  }
0x98: {  	s12 =	sand.u32 $0x30, s6;
	s10 =	sand.u32 $0xFFFFFFC0, s18;
	v5 =	vsel vm0, v5, v2;
	s9 =	sadd.s32 s1, s9  }
0x99: {  	p3 =	slt.s32 s8, $0x1;
	p5 =	sne.s32 s8, s10;
	v6 =	vsel vm0, v6, v3;
	s9 =	sor.u32 s12, s9;
	[tilespmem:s13+$0x800] =	vst v5  }
0x9a: {  	p3 =	por !p3, !p5;
	v5 =	vld [tilespmem:s9+$0x800];
	[tilespmem:s13+$0xE00] =	vst v6;
	s13 =	smov.u32 s9;
	s9 =	smov.u32 s6  }
0x9b: {  	p3 =	por !p3, !p3;
	s6 =	smov.u32 s8;
	s8 =	sadd.s32 $0x10, s8;
	v6 =	vld [tilespmem:s13+$0xE00]  }
0x9c: {  	s8 =	smov.u32 s9  }
0x9d: {  	s9 =	smov.u32 s6;
	s24 =	smov.u32 s3;
	s12 =	smov.u32 s11  }
.LBB2_11:
0x9e: {  	s6 =	simm.s32 $0x1  }
0x9f: {  	s10 =	sshrl.u32 s18, $0x6;
	s6 =	simm.s32 @!p3 $0x0  }
0xa0: {  	v7 =	vor.u32 @p2 s8, v0;
	s6 =	ssub.s32 s10, s6  }
0xa1: {  	vm0 =	vlt.s32 @p2 v7, v4;
	s6 =	sshll.u32 s6, $0x6  }
0xa2: {  	s18 =	sand.u32 $0x30, s9;
	v5 =	vsel @p2 vm0, v5, v2;
	s1 =	sadd.s32 s1, s6  }
0xa3: {  	[tilespmem:s13+$0x800] =	vst @p2 v5;
	v5 =	vsel @p2 vm0, v6, v3;
	s1 =	sor.u32 s18, s1  }
0xa4: {  	v62 =	vld [tilespmem:s1+$0x800];
	[tilespmem:s13+$0xE00] =	vst @p2 v5  }
0xa5: {  	v5 =	vld [tilespmem:s1+$0xE00];
	_ =	sdelay $0x1  }
0xa6: {  	v63 =	vor.u32 s9, v0  }
0xa7: {  	vm15 =	vlt.s32 v63, v4  }
0xa8: {  	v2 =	vsel vm15, v62, v2  }
0xa9: {  	s10 =	rddreg [dreg:$0xf];
	[tilespmem:s1+$0x800] =	vst v2;
	v2 =	vsel vm15, v5, v3  }
0xaa: {  	s11 =	simm.s32 $0x1;
	s18 =	rddreg [dreg:$0xb];
	[tilespmem:s1+$0xE00] =	vst v2  }
.LBB2_12:
0xab: {  	p2 =	slt.u32 s31, $0x2  }
.Ltmp9:
0xac: {  	_ = 	snop;
	(pc) =	sbr.rel @p2 .LBB2_14-.Ltmp9, $1  }
0xad: {  	_ =	sdelay $0x3  }
.Ltmp10:
0xae: {  	(pc) =	sbr.rel .LBB2_15-.Ltmp10, $4  }
0xaf: {  	s1 =	simm.s32 $0x4  }
0xb0: {  	_ =	swait.ge [sflag:s1], $0x1000  }
0xb1: {  	[sflag:s1] =	ssyncset.done $0x0  }
0xb2: {  	s31 =	rddreg [dreg:$0xc];
	[sflag:s1] =	ssyncadd.s32 $0xFFFFF000  }
.LBB2_14:
0xb3: {  	p3 =	seq.s32 s31, $0x0  }
.Ltmp11:
0xb4: {  	_ = 	snop;
	(pc) =	sbr.rel @p3 .LBB2_16-.Ltmp11, $2  }
0xb5: {  	_ =	sdelay $0x2  }
0xb6: {  	s31 =	rddreg [dreg:$0xc]  }
.LBB2_15:
0xb7: {  	_ =	swait.ge [sflag:s17], $0x1000  }
0xb8: {  	[sflag:s17] =	ssyncset.done $0x0  }
0xb9: {  	[sflag:s17] =	ssyncadd.s32 $0xFFFFF000  }
0xba: {  	_ =	swait.ge [sflag:s17], $0x1000  }
0xbb: {  	[sflag:s17] =	ssyncset.done $0x0  }
0xbc: {  	[sflag:s17] =	ssyncadd.s32 $0xFFFFF000  }
0xbd: {  	_ =	swait.ge [sflag:s17], $0x1000  }
0xbe: {  	[sflag:s17] =	ssyncset.done $0x0  }
0xbf: {  	[sflag:s17] =	ssyncadd.s32 $0xFFFFF000  }
0xc0: {  	_ =	swait.ge [sflag:s17], $0x1000  }
0xc1: {  	[sflag:s17] =	ssyncset.done $0x0  }
0xc2: {  	[sflag:s17] =	ssyncadd.s32 $0xFFFFF000  }
0xc3: {  	_ =	swait.ge [sflag:s17], $0x1000  }
0xc4: {  	[sflag:s17] =	ssyncset.done $0x0  }
0xc5: {  	[sflag:s17] =	ssyncadd.s32 $0xFFFFF000  }
0xc6: {  	_ =	swait.ge [sflag:s17], $0x1000  }
0xc7: {  	[sflag:s17] =	ssyncset.done $0x0  }
0xc8: {  	[sflag:s17] =	ssyncadd.s32 $0xFFFFF000  }
0xc9: {  	_ =	swait.ge [sflag:s17], $0x1000  }
0xca: {  	[sflag:s17] =	ssyncset.done $0x0  }
0xcb: {  	[sflag:s17] =	ssyncadd.s32 $0xFFFFF000  }
0xcc: {  	s1 =	sshll.u32 s23, $0xF;
	_ =	swait.ge [sflag:s17], $0x1000  }
0xcd: {  	s3 =	simm.s32 $0x3;
	s1 =	sxor.u32 $0x8000, s1;
	[sflag:s17] =	ssyncset.done $0x0  }
0xce: {  	s1 =	sor.u32 $0x1400, s1;
	s8 =	rddreg [dreg:$0x6];
	[sflag:s17] =	ssyncadd.s32 $0xFFFFF000  }
0xcf: {  	[spmem:s8] =	stream.linear.scatter [tilespmem:s1], [sflag:$0x3], $0x8000, $0x38;
	[tilespmem:$0x1A400] =	vst v63  }
0xd0: {  	_ =	swait.ge [sflag:s3], $0x8000  }
0xd1: {  	s13 =	rddreg [dreg:$0xe]  }
0xd2: {  	s16 =	stileid.u32;
	s1 =	sshll.u32 s13, $0x6  }
0xd3: {  	s6 =	sshll.u32 s16, $0x6;
	s1 =	sadd.s32 $0xFFFF8000, s1  }
0xd4: {  	s6 =	sor.u32 $0x1C04, s6;
	[sflag:s3] =	ssyncset.done $0x0;
	s1 =	sshrl.u32 s1, $0x3  }
0xd5: {  	s8 =	sshrl.u32 s8, $0x3;
	[sflag:s3] =	ssyncadd.s32 $0xFFFF8000;
	s1 =	sadd.s32 s2, s1  }
0xd6: {  	[hbm:s1], [sflag:s6] =	dma.local [spmem:s8], $0x1000  }
.LBB2_16:
0xd7: {  	s1 =	sshll.u32 s23, $0xF;
	s6 =	sshll.u32 s23, $0x9  }
0xd8: {  	s8 =	sor.u32 $0x1400, s1;
	s9 =	sor.u32 $0x400, s6  }
0xd9: {  	[tilespmem:s8], [sflag:$0x2] =	stream.indirect.gather [hbm4b:s5+s19], $0x40, s9, s19, $0xb8;
	[tilespmem:$0x1A400] =	vst v63  }
0xda: {  	s13 =	sor.u32 $0x2400, s1;
	s16 =	sor.u32 $0x440, s6  }
0xdb: {  	[tilespmem:s13], [sflag:$0x2] =	stream.indirect.gather [hbm4b:s5+s19], $0x40, s16, s19, $0xb8;
	[tilespmem:$0x1A400] =	vst v63  }
0xdc: {  	s23 =	sor.u32 $0x3400, s1;
	s3 =	sor.u32 $0x480, s6  }
0xdd: {  	[tilespmem:s23], [sflag:$0x2] =	stream.indirect.gather [hbm4b:s5+s19], $0x40, s3, s19, $0xb8;
	[tilespmem:$0x1A400] =	vst v63  }
0xde: {  	s13 =	sor.u32 $0x4400, s1;
	s16 =	sor.u32 $0x4C0, s6  }
0xdf: {  	[tilespmem:s13], [sflag:$0x2] =	stream.indirect.gather [hbm4b:s5+s19], $0x40, s16, s19, $0xb8;
	[tilespmem:$0x1A400] =	vst v63  }
0xe0: {  	s23 =	sor.u32 $0x5400, s1;
	s3 =	sor.u32 $0x500, s6  }
0xe1: {  	[tilespmem:s23], [sflag:$0x2] =	stream.indirect.gather [hbm4b:s5+s19], $0x40, s3, s19, $0xb8;
	[tilespmem:$0x1A400] =	vst v63  }
0xe2: {  	s9 =	sor.u32 $0x6400, s1;
	s13 =	sor.u32 $0x540, s6  }
0xe3: {  	[tilespmem:s9], [sflag:$0x2] =	stream.indirect.gather [hbm4b:s5+s19], $0x40, s13, s19, $0xb8;
	[tilespmem:$0x1A400] =	vst v63  }
0xe4: {  	s16 =	sor.u32 $0x7400, s1;
	s23 =	sor.u32 $0x580, s6  }
0xe5: {  	[tilespmem:s16], [sflag:$0x2] =	stream.indirect.gather [hbm4b:s5+s19], $0x40, s23, s19, $0xb8;
	[tilespmem:$0x1A400] =	vst v63  }
0xe6: {  	s1 =	sadd.s32 $0x8400, s1;
	s6 =	sor.u32 $0x5C0, s6  }
0xe7: {  	[tilespmem:s1], [sflag:$0x2] =	stream.indirect.gather [hbm4b:s5+s19], $0x40, s6, s19, $0xb8;
	[tilespmem:$0x1A400] =	vst v63  }
0xe8: {  	s1 =	rddreg [dreg:$0x10]  }
0xe9: {  	s1 =	sadd.s32 @!p2 $0x3F, s1  }
0xea: {  	s6 =	sand.u32 @!p2 $0x3F, s1  }
0xeb: {  	p3 =	slt.s32 @!p2 s1, $0x1;
	p4 =	sne.s32 @!p2 s6, $0x0  }
0xec: {  	s6 =	sshra.s32 @!p2 s1, $0x1F;
	p3 =	por @!p2 !p3, !p4  }
0xed: {  	s6 =	sshrl.u32 @!p2 s6, $0x1A;
	p3 =	por @!p2 !p3, !p3  }
0xee: {  	s1 =	sadd.s32 @!p2 s6, s1;
	s6 =	simm.s32 @!p2 $0x1;
	p3 =	por !p3, p2  }
0xef: {  	s1 =	sshra.s32 @!p2 s1, $0x6;
	s6 =	simm.s32 @p3 $0x0  }
0xf0: {  	s1 =	ssub.s32 @!p2 s1, s6  }
0xf1: {  	p3 =	slt.s32 @!p2 s1, $0x1  }
0xf2: {  	p2 =	por p2, p3  }
.Ltmp12:
0xf3: {  	_ = 	snop;
	(pc) =	sbr.rel @p2 .LBB2_20-.Ltmp12, $1  }
0xf4: {  	_ =	sdelay $0x3  }
0xf5: {  	[tilespmem:s20], [sflag:$0x5] =	stream.indirect.gather [hbm4b:s7+s19], $0x40, s4, s19, $0xb8;
	[tilespmem:$0x1A400] =	vst v63  }
0xf6: {  	p2 =	sne.s32 s1, $0x1;
	_ =	swait.ge [sflag:s21], $0x1000  }
.Ltmp13:
0xf7: {  	[sflag:s21] =	ssyncset.done $0x0;
	(pc) =	sbr.rel @!p2 .LBB2_19-.Ltmp13, $4  }
0xf8: {  	[sflag:s21] =	ssyncadd.s32 $0xFFFFF000  }
0xf9: {  	[hbm4b:s2+s19] =	stream.indirect.scatter [tilespmem:s20], [sflag:$0x6], $0x40, s0, s19, $0xb8;
	[tilespmem:$0x1A400] =	vst v63  }
0xfa: {  	_ =	swait.ge [sflag:s22], $0x1000  }
0xfb: {  	s1 =	sadd.s32 $0xFFFFFFFF, s1;
	[sflag:s22] =	ssyncset.done $0x0  }
.LBB2_18:
0xfc: {  	[sflag:s22] =	ssyncadd.s32 $0xFFFFF000;
	s0 =	sadd.s32 $0x40, s0;
	s4 =	sadd.s32 $0x40, s4  }
0xfd: {  	[tilespmem:s20], [sflag:$0x5] =	stream.indirect.gather [hbm4b:s7+s19], $0x40, s4, s19, $0xb8;
	[tilespmem:$0x1A400] =	vst v63  }
0xfe: {  	p2 =	sne.s32 s1, $0x1;
	s1 =	sadd.s32 $0xFFFFFFFF, s1;
	_ =	swait.ge [sflag:s21], $0x1000  }
.Ltmp14:
0xff: {  	[sflag:s21] =	ssyncset.done $0x0;
	(pc) =	sbr.rel @p2 .LBB2_18-.Ltmp14, $4  }
0x100: {  	[sflag:s21] =	ssyncadd.s32 $0xFFFFF000  }
0x101: {  	[hbm4b:s2+s19] =	stream.indirect.scatter [tilespmem:s20], [sflag:$0x6], $0x40, s0, s19, $0xb8;
	[tilespmem:$0x1A400] =	vst v63  }
0x102: {  	_ =	swait.ge [sflag:s22], $0x1000  }
0x103: {  	[sflag:s22] =	ssyncset.done $0x0  }
.Ltmp15:
0x104: {  	_ = 	snop;
	(pc) =	sbr.rel .LBB2_19-.Ltmp15, $1  }
0x105: {  	_ =	sdelay $0x3  }
.LBB2_6:
.Ltmp16:
0x106: {  	(pc) =	sbr.rel .LBB2_11-.Ltmp16, $2  }
0x107: {  	_ =	sdelay $0x2  }
0x108: {  	_ = 	snop  }
.LBB2_8:
.Ltmp17:
0x109: {  	(pc) =	sbr.rel .LBB2_11-.Ltmp17, $3  }
0x10a: {  	_ =	sdelay $0x1  }
0x10b: {  	s8 =	smov.u32 s9  }
0x10c: {  	s9 =	smov.u32 s6;
	s24 =	smov.u32 s3;
	s12 =	smov.u32 s11  }
.LBB2_21:
0x10d: {  	_ =	swait.ge [sflag:s17], $0x1000  }
0x10e: {  	[sflag:s17] =	ssyncset.done $0x0  }
0x10f: {  	[sflag:s17] =	ssyncadd.s32 $0xFFFFF000  }
0x110: {  	_ =	swait.ge [sflag:s17], $0x1000  }
0x111: {  	[sflag:s17] =	ssyncset.done $0x0  }
0x112: {  	[sflag:s17] =	ssyncadd.s32 $0xFFFFF000  }
0x113: {  	_ =	swait.ge [sflag:s17], $0x1000  }
0x114: {  	[sflag:s17] =	ssyncset.done $0x0  }
0x115: {  	[sflag:s17] =	ssyncadd.s32 $0xFFFFF000  }
0x116: {  	_ =	swait.ge [sflag:s17], $0x1000  }
0x117: {  	[sflag:s17] =	ssyncset.done $0x0  }
0x118: {  	[sflag:s17] =	ssyncadd.s32 $0xFFFFF000  }
0x119: {  	_ =	swait.ge [sflag:s17], $0x1000  }
0x11a: {  	[sflag:s17] =	ssyncset.done $0x0  }
0x11b: {  	[sflag:s17] =	ssyncadd.s32 $0xFFFFF000  }
0x11c: {  	_ =	swait.ge [sflag:s17], $0x1000  }
0x11d: {  	[sflag:s17] =	ssyncset.done $0x0  }
0x11e: {  	[sflag:s17] =	ssyncadd.s32 $0xFFFFF000  }
0x11f: {  	_ =	swait.ge [sflag:s17], $0x1000  }
0x120: {  	[sflag:s17] =	ssyncset.done $0x0  }
0x121: {  	[sflag:s17] =	ssyncadd.s32 $0xFFFFF000  }
0x122: {  	_ =	swait.ge [sflag:s17], $0x1000  }
0x123: {  	s0 =	simm.s32 $0x4;
	s23 =	simm.s32 $0x9400;
	[sflag:s17] =	ssyncset.done $0x0  }
0x124: {  	s3 =	simm.s32 $0x3;
	s28 =	sadd.s32 $0x3F, s18;
	[sflag:s17] =	ssyncadd.s32 $0xFFFFF000  }
0x125: {  	s25 =	stileid.u32;
	s29 =	sand.u32 $0x3F, s28;
	_ =	swait.ge [sflag:s0], $0x1000  }
0x126: {  	s30 =	sshra.s32 s28, $0x1F;
	p2 =	slt.s32 s28, $0x1;
	[sflag:s0] =	ssyncset.done $0x0  }
0x127: {  	p3 =	sne.s32 s29, $0x0;
	s1 =	rddreg [dreg:$0x6];
	[sflag:s0] =	ssyncadd.s32 $0xFFFFF000  }
0x128: {  	[spmem:s1] =	stream.linear.scatter [tilespmem:s23], [sflag:$0x3], $0x8000, $0x38;
	[tilespmem:$0x1A400] =	vst v63  }
0x129: {  	s31 =	sshrl.u32 s30, $0x1A;
	s0 =	sshll.u32 s25, $0x6;
	_ =	swait.ge [sflag:s3], $0x8000  }
0x12a: {  	p2 =	por !p2, !p3;
	s0 =	sor.u32 $0x1C04, s0;
	[sflag:s3] =	ssyncset.done $0x0  }
0x12b: {  	s1 =	sshrl.u32 s1, $0x3;
	s26 =	rddreg [dreg:$0x7];
	[sflag:s3] =	ssyncadd.s32 $0xFFFF8000  }
0x12c: {  	[hbm:s26], [sflag:s0] =	dma.local [spmem:s1], $0x1000  }
0x12d: {  	p2 =	por !p2, !p2;
	s0 =	sadd.s32 s31, s28;
	s1 =	simm.s32 $0x1  }
0x12e: {  	s0 =	sshra.s32 s0, $0x6;
	s1 =	simm.s32 @!p2 $0x0  }
0x12f: {  	s3 =	ssub.s32 s0, s1  }
0x130: {  	p2 =	slt.s32 s3, $0x1  }
.Ltmp18:
0x131: {  	_ = 	snop;
	(pc) =	sbr.rel @p2 .LBB2_25-.Ltmp18, $1  }
0x132: {  	_ =	sdelay $0x3  }
0x133: {  	s0 =	simm.s32 $0x800  }
0x134: {  	[tilespmem:s20], [sflag:$0x5] =	stream.indirect.gather [hbm4b:s7+s19], $0x40, s0, s19, $0xb8;
	[tilespmem:$0x1A400] =	vst v63  }
0x135: {  	p2 =	sne.s32 s3, $0x1;
	_ =	swait.ge [sflag:s21], $0x1000  }
.Ltmp19:
0x136: {  	[sflag:s21] =	ssyncset.done $0x0;
	(pc) =	sbr.rel @!p2 .LBB2_24-.Ltmp19, $4  }
0x137: {  	s1 =	simm.s32 $0xE00;
	[sflag:s21] =	ssyncadd.s32 $0xFFFFF000  }
0x138: {  	[hbm4b:s2+s19] =	stream.indirect.scatter [tilespmem:s20], [sflag:$0x6], $0x40, s1, s19, $0xb8;
	[tilespmem:$0x1A400] =	vst v63  }
0x139: {  	_ =	swait.ge [sflag:s22], $0x1000  }
0x13a: {  	s3 =	sadd.s32 $0xFFFFFFFF, s3;
	[sflag:s22] =	ssyncset.done $0x0  }
.LBB2_23:
0x13b: {  	[sflag:s22] =	ssyncadd.s32 $0xFFFFF000;
	s0 =	sadd.s32 $0x40, s0;
	s1 =	sadd.s32 $0x40, s1  }
0x13c: {  	[tilespmem:s20], [sflag:$0x5] =	stream.indirect.gather [hbm4b:s7+s19], $0x40, s0, s19, $0xb8;
	[tilespmem:$0x1A400] =	vst v63  }
0x13d: {  	p2 =	sne.s32 s3, $0x1;
	s3 =	sadd.s32 $0xFFFFFFFF, s3;
	_ =	swait.ge [sflag:s21], $0x1000  }
.Ltmp20:
0x13e: {  	[sflag:s21] =	ssyncset.done $0x0;
	(pc) =	sbr.rel @p2 .LBB2_23-.Ltmp20, $4  }
0x13f: {  	[sflag:s21] =	ssyncadd.s32 $0xFFFFF000  }
0x140: {  	[hbm4b:s2+s19] =	stream.indirect.scatter [tilespmem:s20], [sflag:$0x6], $0x40, s1, s19, $0xb8;
	[tilespmem:$0x1A400] =	vst v63  }
0x141: {  	_ =	swait.ge [sflag:s22], $0x1000  }
0x142: {  	[sflag:s22] =	ssyncset.done $0x0  }
.LBB2_24:
0x143: {  	[sflag:s22] =	ssyncadd.s32 $0xFFFFF000  }
.LBB2_25:
0x144: {  	p2 =	slt.s32 s12, $0x1  }
.Ltmp21:
0x145: {  	_ = 	snop;
	(pc) =	sbr.rel @p2 .LBB2_29-.Ltmp21, $4  }
0x146: {  	s0 =	simm.s32 $0x4  }
0x147: {  	_ =	swait.ge [sflag:s0], $0x1000  }
0x148: {  	[sflag:s0] =	ssyncset.done $0x0  }
0x149: {  	s1 =	rddreg [dreg:$0xa];
	[sflag:s0] =	ssyncadd.s32 $0xFFFFF000  }
0x14a: {  	p0 =	por !p1, !p0;
	s0 =	simm.s32 $0xA00  }
0x14b: {  	[tilespmem:s20], [sflag:$0x5] =	stream.indirect.gather [hbm4b:s7+s19], $0x40, s0, s19, $0xb8;
	[tilespmem:$0x1A400] =	vst v63  }
0x14c: {  	s1 =	simm.s32 $0x1;
	p0 =	por !p0, !p0;
	_ =	swait.ge [sflag:s21], $0x1000  }
0x14d: {  	s1 =	simm.s32 @!p0 $0x0;
	s3 =	rddreg [dreg:$0xd]  }
0x14e: {  	s3 =	ssub.s32 s3, s1  }
0x14f: {  	p0 =	sne.s32 s3, $0x1  }
.Ltmp22:
0x150: {  	[sflag:s21] =	ssyncset.done $0x0;
	(pc) =	sbr.rel @!p0 .LBB2_28-.Ltmp22, $4  }
0x151: {  	s1 =	simm.s32 $0x1000;
	[sflag:s21] =	ssyncadd.s32 $0xFFFFF000  }
0x152: {  	[hbm4b:s2+s19] =	stream.indirect.scatter [tilespmem:s20], [sflag:$0x6], $0x40, s1, s19, $0xb8;
	[tilespmem:$0x1A400] =	vst v63  }
0x153: {  	_ =	swait.ge [sflag:s22], $0x1000  }
0x154: {  	s3 =	sadd.s32 $0xFFFFFFFF, s3;
	[sflag:s22] =	ssyncset.done $0x0  }
.LBB2_27:
0x155: {  	[sflag:s22] =	ssyncadd.s32 $0xFFFFF000;
	s1 =	sadd.s32 $0x40, s1;
	s0 =	sadd.s32 $0x40, s0  }
0x156: {  	[tilespmem:s20], [sflag:$0x5] =	stream.indirect.gather [hbm4b:s7+s19], $0x40, s0, s19, $0xb8;
	[tilespmem:$0x1A400] =	vst v63  }
0x157: {  	p0 =	sne.s32 s3, $0x1;
	s3 =	sadd.s32 $0xFFFFFFFF, s3;
	_ =	swait.ge [sflag:s21], $0x1000  }
.Ltmp23:
0x158: {  	[sflag:s21] =	ssyncset.done $0x0;
	(pc) =	sbr.rel @p0 .LBB2_27-.Ltmp23, $4  }
0x159: {  	[sflag:s21] =	ssyncadd.s32 $0xFFFFF000  }
0x15a: {  	[hbm4b:s2+s19] =	stream.indirect.scatter [tilespmem:s20], [sflag:$0x6], $0x40, s1, s19, $0xb8;
	[tilespmem:$0x1A400] =	vst v63  }
0x15b: {  	_ =	swait.ge [sflag:s22], $0x1000  }
0x15c: {  	[sflag:s22] =	ssyncset.done $0x0  }
.Ltmp24:
0x15d: {  	_ = 	snop;
	(pc) =	sbr.rel .LBB2_28-.Ltmp24, $1  }
0x15e: {  	_ =	sdelay $0x3  }
.LBB2_30:
0x15f: {  	_ =	sfence.sel $0x180000  }
0x160: {  	[bflag:$0x0] =	sbarrier.arrive $0xFFFF  }
0x161: {  	_ =	strace $0x90000047  }
0x162: {  	s0 =	stileid.u32;
	[bflag:$0x2] =	sbarrier.arrive $0xFFFF  }
0x163: {  	p0 =	sne.s32 s0, $0x0;
	s0 =	rddreg [dreg:$0x4]  }
0x164: {  	s0 =	sadd.s32 @!p0 $0x100000, s0  }
0x165: {  	[sflag:s0] =	ssyncadd.tile.s32 @!p0 $0x1;
	_ =	shalt  }
.Lfunc_end2:
_tile_overlayer_lowered:
.L_overlay_start_2:
0x166: {  	(tag) =	ssettag $0x2  }
0x167: {  	s0 =	rddreg [dreg:$0x0];
	s2 =	stileid.u32  }
0x168: {  	s1 =	rddreg [dreg:$0x1];
	p0 =	sne.s32 s2, $0x0  }
0x169: {  	s3 =	rddreg [dreg:$0x2];
	[bflag:$0x3] =	sbarrier.arrive $0xFFFF;
	s2 =	simm.s32 @!p0 $0x1C06  }
0x16a: {  	[timem:s3], [sflag:s2] =	dma.local @!p0 [hbm:s0], s1  }
0x16b: {  	s0 =	simm.s32 @!p0 $0x6  }
0x16c: {  	_ =	swait.ge @!p0 [sflag:s0], s1  }
0x16d: {  	s1 =	ssub.s32 @!p0 $0x0, s1;
	[sflag:s0] =	ssyncset.done @!p0 $0x0  }
0x16e: {  	[sflag:s0] =	ssyncadd.s32 @!p0 s1  }
0x16f: {  	[bflag:$0x3] =	sbarrier.arrive $0xFFFF  }
0x170: {  	_ =	shalt  }

// kernel: sparse-core-data-format-call.cloned.1.call-start
scs
called_computation_lowered:
.L_overlay_start_0:
0x0: {  	s2 =	sld [smem:$0x3FD9]  }
0x1: {  	s3 =	sld [smem:$0x3FFE];
	_ =	sdelay $0x1  }
0x2: {  	s1 =	srdreg.scid  }
0x3: {  	s0 =	sand.u32 $0x1, s1  }
0x4: {  	s18 =	sshll.u32 s0, $0xA;
	s2 =	sadd.s32 s3, s2  }
0x5: {  	s2 =	sadd.s32 s2, s18  }
0x6: {  	[smem:$0x3FC5] =	sst s2  }
0x7: {  	_ = 	snop  }
0x8: {  	s2 =	sld [smem:$0x3FD0];
	(tm) =	ssettm $0x1  }
0x9: {  	s19 =	sld [smem:$0x3FFB];
	_ =	sdelay $0x3  }
0xa: {  	_ =	strace s19  }
0xb: {  	s3 =	sld [smem:$0x3FFC];
	_ =	sdelay $0x3  }
0xc: {  	_ =	strace s3  }
0xd: {  	s3 =	sld [smem:$0x3FFD];
	_ =	sdelay $0x3  }
0xe: {  	_ =	strace s3  }
0xf: {  	_ =	strace $0x8FFFFFFF  }
0x10: {  	s20 =	sld [smem:$0x3FDB];
	_ =	sdelay $0x1  }
0x11: {  	s4 =	simm.s32 $_scs_section_size  }
0x12: {  	s5 =	simm.s32 $_size__tile_overlayer_lowered;
	s6 =	simm.s32 $_tile_overlayer_lowered  }
0x13: {  	s23 =	simm.s32 $0x1BFF;
	s22 =	sshll.u32 s6, $0x1;
	s3 =	sadd.s32 s4, s20  }
0x14: {  	s7 =	simm.s32 $0x0;
	s21 =	sshll.u32 s5, $0x1;
	s5 =	sadd.s32 s22, s3  }
0x15: {  	[timem:s7], [sflag:s23] =	dma.local [hbm:s5], s21  }
0x16: {  	_ =	swait.ge [sflag:s23], s21  }
0x17: {  	s4 =	ssub.s32 $0x0, s21;
	[sflag:s23] =	ssyncset.done $0x0  }
0x18: {  	[sflag:s23] =	ssyncadd.s32 s4;
	_ =	sdelay $0x1  }
0x19: {  	s24 =	simm.s32 $0x1B8B  }
0x1a: {  	_ =	swait.ge [sflag:s24], $0x1  }
0x1b: {  	[sflag:s24] =	ssyncset.done $0x0  }
0x1c: {  	s26 =	simm.s32 $0x1B8E;
	s25 =	sld [smem:$0x3FFE];
	[sflag:s24] =	ssyncadd.s32 $0xFFFFFFFF  }
0x1d: {  	s27 =	simm.s32 $execute0_lowered;
	[smem:$0x3FD2] =	sst s26  }
0x1e: {  	s5 =	sshll.u32 s27, $0x1;
	_ =	strace $0x80000049;
	[dreg:$0x1] =	wrdreg $0xFFFFFFFF  }
0x1f: {  	s28 =	simm.s32 $_size_execute0_lowered;
	s3 =	sadd.s32 s3, s5;
	[dreg:$0x0] =	wrdreg $0x0  }
0x20: {  	s5 =	sshll.u32 s28, $0x1;
	[dreg:$0x2] =	wrdreg s3  }
0x21: {  	[dreg:$0x3] =	wrdreg s5  }
0x22: {  	[dreg:$0x4] =	wrdreg $0xC0  }
0x23: {  	_ =	task [dreg:s7], $0x5FFFF  }
0x24: {  	[dreg:$0x1] =	wrdreg $0xFFFFFFFF  }
0x25: {  	[dreg:$0x0] =	wrdreg $0x60  }
0x26: {  	[dreg:$0x2] =	wrdreg s25  }
0x27: {  	[dreg:$0x3] =	wrdreg s2  }
0x28: {  	[dreg:$0x4] =	wrdreg $0x9  }
0x29: {  	_ =	task.clear_ibuf [dreg:s7], $0x5FFFF;
	_ =	strace $0x90000049  }
0x2a: {  	s29 =	simm.s32 $0x9;
	_ =	strace $0x8000004B  }
0x2b: {  	_ =	swait.ge [sflag:s29], $0x1  }
0x2c: {  	[sflag:s29] =	ssyncadd.s32 $0xFFFFFFFF  }
0x2d: {  	_ =	strace $0x9000004B  }
0x2e: {  	_ =	sfence  }
0x2f: {  	s30 =	sld [smem:$0x0];
	_ =	sdelay $0x2  }
0x30: {  	s31 =	sshll.u32 s1, $0xD;
	s1 =	sshrl.u32 s1, $0x2  }
0x31: {  	s3 =	sand.u32 $0x4000, s31;
	s1 =	sadd.s32 s1, s30  }
0x32: {  	s0 =	sor.u32 s3, s0;
	s1 =	sshll.u32 s1, $0x11  }
0x33: {  	s0 =	sor.u32 s1, s0  }
0x34: {  	s0 =	sadd.s32 $0x8F2B, s0  }
0x35: {  	[sflag:s0] =	ssyncadd.remote.s32 $0x1  }
0x36: {  	_ =	sfence.sel $0xFFFF  }
0x37: {  	[dreg:$0x0] =	wrdreg $0xFFFFFFFF;
	(pc) =	sbr.abs _section_cstart, $3  }
0x38: {  	[dreg:$0x1] =	wrdreg $0xFFFFFFFF  }
0x39: {  	_ =	task.clear_ibuf [dreg:s7], $0x2FFFF;
	_ =	strace $0x9FFFFFFF  }
0x3a: {  	(tm) =	ssettm $0x7FFFFFFF  }
0x3b: {  	_ =	shalt  }
tec
execute0_lowered:
.L_overlay_start_1:
0x0: {  	(tag) =	ssettag $0x1  }
0x1: {  	s0 =	srdreg.scid  }
0x2: {  	s1 =	sshll.u32 s0, $0x4  }
0x3: {  	s4 =	rddreg [dreg:$0x0];
	s0 =	stileid.u32;
	s1 =	sand.u32 $0x10, s1  }
0x4: {  	s2 =	rddreg [dreg:$0x1];
	s7 =	simm.s32 $0x1;
	s1 =	sor.u32 s0, s1  }
0x5: {  	s8 =	simm.s32 $0x2;
	s11 =	simm.s32 $0x0;
	s3 =	sshll.u32 s1, $0x7  }
0x6: {  	s10 =	simm.s32 $0x0;
	s4 =	sadd.s32 $0xA00, s4;
	s6 =	ssub.s32 $0xC8000, s3  }
.Ltmp0:
0x7: {  	s1 =	rddreg [dreg:$0x2];
	s5 =	sand.u32 $0xF80, s6;
	(pc) =	sbr.rel .LBB1_1-.Ltmp0, $4  }
0x8: {  	_ =	strace $0x8000004A;
	s9 =	smov.u32 s3;
	p0 =	sne.s32 s5, $0x0  }
0x9: {  	s6 =	sshrl.u32 s6, $0xC;
	s5 =	simm.s32 $0x1;
	s7 =	simm.s32 @!p0 $0x0  }
0xa: {  	[sflag:s5] =	ssyncpa.u1 $0x0;
	p0 =	por $0x0, $0x0;
	s6 =	sadd.s32 s7, s6  }
0xb: {  	[sflag:s8] =	ssyncpa.u1 $0x0;
	s8 =	simm.s32 $0x640000;
	s7 =	sadd.s32 $0x1, s6  }
.LBB1_4:
0xc: {  	s14 =	sshll.u32 s11, $0x3  }
0xd: {  	s30 =	sand.u32 $0x7F, s11;
	s15 =	sand.u32 $0xFFFFFC00, s14  }
0xe: {  	s11 =	sor.u32 s30, s15  }
0xf: {  	s15 =	smulhi.u32 $0x51EB851F, s11  }
0x10: {  	s14 =	smulhi.u32 $0x51EB851F, s14  }
0x11: {  	s15 =	sshrl.u32 s15, $0x12  }
0x12: {  	s14 =	sshrl.u32 s14, $0x12;
	s15 =	smul.u32 $0xC8000, s15  }
0x13: {  	s14 =	sand.u32 $0x3F, s14  }
0x14: {  	s14 =	smul.u32 $0x19000, s14;
	s11 =	ssub.s32 s11, s15  }
0x15: {  	[tilespmem:s13+$0x810 ss:$0x81] =	vst.msk $0xffff, v2;
	s15 =	sand.u32 $0x7, s11  }
0x16: {  	[tilespmem:s13+$0x1020 ss:$0x81] =	vst.msk $0xffff, v0;
	s14 =	sadd.s32 s2, s14;
	s11 =	sshrl.u32 s11, $0x3;
	s15 =	sshll.u32 s15, $0x12  }
0x17: {  	[tilespmem:s13+$0x0 ss:$0x81] =	vst.msk $0xffff, v1;
	s11 =	sadd.s32 s11, s14;
	s31 =	sor.u32 $0x400, s15  }
0x18: {  	[hbm4b:s11+s31] =	stream.strided.scatter [tilespmem:s12], [sflag:$0x2], $0x2000, s8, s31, $0x20;
	[tilespmem:$0x8080] =	vst v63  }
.LBB1_5:
0x19: {  	s13 =	sadd.s32 $0x1000, s9  }
0x1a: {  	p2 =	sgt.s32 s13, $0xC7FFF  }
0x1b: {  	s13 =	smov.u32 @p2 s3;
	p2 =	sne.s32 s10, s7  }
.Ltmp1:
0x1c: {  	p1 =	slt.u32 s10, $0x2;
	(pc) =	sbr.rel @!p2 .LBB1_6-.Ltmp1, $4  }
0x1d: {  	s12 =	simm.s32 @!p1 $0x2  }
0x1e: {  	s14 =	sadd.s32 $0x1, s10;
	_ =	swait.ge @!p1 [sflag:s12], $0x2000  }
0x1f: {  	s11 =	smov.u32 s9;
	p0 =	por !p0, !p0;
	[sflag:s12] =	ssyncset.done @!p1 $0x0  }
0x20: {  	s10 =	smov.u32 s14;
	s9 =	smov.u32 s13;
	[sflag:s12] =	ssyncadd.s32 @!p1 $0xFFFFE000  }
.LBB1_1:
0x21: {  	p1 =	sge.u32 s10, s6  }
0x22: {  	s12 =	sand.u32 @!p1 $0x1FFFFFF, s9  }
0x23: {  	s13 =	smulhi.u32 @!p1 $0x147AE15, s12;
	_ =	sdelay $0x1  }
0x24: {  	s13 =	sshrl.u32 @!p1 s13, $0xC  }
0x25: {  	s13 =	smul.u32 @!p1 $0xC8000, s13;
	_ =	sdelay $0x1  }
0x26: {  	s31 =	sadd.s32 $0xFFFFFFFF, s10;
	s14 =	sxor.u32 @!p1 $0xFFFFFFFF, s10;
	s12 =	ssub.s32 @!p1 s12, s13  }
0x27: {  	s15 =	simm.s32 @!p1 $0x80;
	s14 =	sshll.u32 @!p1 s14, $0xD;
	s12 =	sshll.u32 @!p1 s12, $0x4  }
0x28: {  	s13 =	sand.u32 @!p1 $0x2000, s14;
	s14 =	simm.s32 @!p1 $0x40;
	s12 =	sadd.s32 @!p1 s4, s12  }
0x29: {  	[tilespmem:s13], [sflag:$0x1] =	stream.strided.gather @!p1 [hbm4b:s12+s14], $0x2000, s15, s14, $0x38;
	[tilespmem:$0x8080] =	vst v63  }
0x2a: {  	p1 =	sge.u32 s31, s6  }
.Ltmp2:
0x2b: {  	_ = 	snop;
	(pc) =	sbr.rel @p1 .LBB1_5-.Ltmp2, $1  }
0x2c: {  	_ =	sdelay $0x3  }
0x2d: {  	s12 =	simm.s32 $0x1  }
0x2e: {  	_ =	swait.ge [sflag:s5], $0x2000;
	s12 =	simm.s32 @!p0 $0x0  }
0x2f: {  	[sflag:s5] =	ssyncset.done $0x0;
	s13 =	sshll.u32 s12, $0xD  }
0x30: {  	[sflag:s5] =	ssyncadd.s32 $0xFFFFE000;
	s16 =	sor.u32 $0x20, s13  }
0x31: {  	s12 =	smul.u32 $0x8100, s12;
	v3 =	vld [tilespmem:s16+$0x10]  }
0x32: {  	s30 =	sand.u32 $0x1, s10;
	v2 =	vld [tilespmem:s16+$0xFFFFFFF0]  }
0x33: {  	s13 =	smul.u32 $0x8100, s30;
	s12 =	sshrl.u32 s12, $0x2;
	v0 =	vld [tilespmem:s16+$0x0]  }
0x34: {  	v1 =	vld [tilespmem:s16+$0xFFFFFFE0];
	s14 =	sor.u32 $0x4000, s12  }
0x35: {  	s31 =	sshrl.u32 s13, $0x2;
	s13 =	sadd.s32 $0x0, s14  }
0x36: {  	s15 =	simm.s32 $0x4;
	s16 =	sadd.s32 $0x40, s16;
	s12 =	sor.u32 $0x4000, s31;
	[tilespmem:s13+$0x1830 ss:$0x81] =	vst.msk $0xffff, v3  }
.LBB1_3:
0x37: {  	v3 =	vld [tilespmem:s16+$0x10];
	p1 =	sne.s32 s15, $0x1FC;
	[tilespmem:s13+$0x810 ss:$0x81] =	vst.msk $0xffff, v2;
	s17 =	smov.u32 s15;
	s15 =	sadd.s32 $0x4, s15  }
.Ltmp3:
0x38: {  	v2 =	vld [tilespmem:s16+$0xFFFFFFF0];
	[tilespmem:s13+$0x1020 ss:$0x81] =	vst.msk $0xffff, v0;
	(pc) =	sbr.rel @p1 .LBB1_3-.Ltmp3, $4  }
0x39: {  	v0 =	vld [tilespmem:s16+$0x0];
	[tilespmem:s13+$0x0 ss:$0x81] =	vst.msk $0xffff, v1  }
0x3a: {  	s13 =	sshra.s32 s17, $0x2;
	v1 =	vld [tilespmem:s16+$0xFFFFFFE0]  }
0x3b: {  	s13 =	sadd.s32 s13, s14  }
0x3c: {  	s16 =	sadd.s32 $0x40, s16;
	[tilespmem:s13+$0x1830 ss:$0x81] =	vst.msk $0xffff, v3  }
.Ltmp4:
0x3d: {  	_ = 	snop;
	(pc) =	sbr.rel .LBB1_4-.Ltmp4, $1  }
0x3e: {  	_ =	sdelay $0x3  }
.LBB1_6:
0x3f: {  	_ =	sfence.sel $0x180000  }
0x40: {  	s2 =	simm.s32 $0x1;
	[bflag:$0x0] =	sbarrier.arrive $0xFFFF  }
0x41: {  	s31 =	simm.s32 $0x2;
	[sflag:s2] =	ssyncpa.u1 $0x1  }
0x42: {  	[sflag:s31] =	ssyncpa.u1 $0x1  }
0x43: {  	p0 =	sne.s32 s0, $0x0;
	_ =	strace $0x9000004A  }
0x44: {  	s0 =	sadd.s32 @!p0 $0x100000, s1;
	[bflag:$0x2] =	sbarrier.arrive $0xFFFF  }
0x45: {  	[sflag:s0] =	ssyncadd.tile.s32 @!p0 $0x1;
	_ =	shalt  }
.Lfunc_end1:
_tile_overlayer_lowered:
.L_overlay_start_2:
0x46: {  	(tag) =	ssettag $0x2  }
0x47: {  	s0 =	rddreg [dreg:$0x0];
	s2 =	stileid.u32  }
0x48: {  	s1 =	rddreg [dreg:$0x1];
	p0 =	sne.s32 s2, $0x0  }
0x49: {  	s3 =	rddreg [dreg:$0x2];
	[bflag:$0x3] =	sbarrier.arrive $0xFFFF;
	s2 =	simm.s32 @!p0 $0x1C01  }
0x4a: {  	[timem:s3], [sflag:s2] =	dma.local @!p0 [hbm:s0], s1  }
0x4b: {  	s0 =	simm.s32 @!p0 $0x1  }
0x4c: {  	_ =	swait.ge @!p0 [sflag:s0], s1  }
0x4d: {  	s1 =	ssub.s32 @!p0 $0x0, s1;
	[sflag:s0] =	ssyncset.done @!p0 $0x0  }
0x4e: {  	[sflag:s0] =	ssyncadd.s32 @!p0 s1  }
0x4f: {  	[bflag:$0x3] =	sbarrier.arrive $0xFFFF  }
0x50: {  	_ =	shalt  }

</sc_bundles>
